<compile_context>
chip_gen: v7x
topology: tpu7x:2x2x1
jax: 0.10.2.dev20260603
libtpu: 0.0.44.dev20260713+nightly
codegen_flags: <defaults>
</compile_context>

<pallas_src>
import dataclasses
import functools

import jax
import jax.numpy as jnp
from jax import lax
from jax.experimental import pallas as pl
from jax.experimental.pallas import tpu as pltpu
from jax.experimental.pallas import tpu_sc as plsc

N = 10000
E = 320000
D = 128
LANES = 16
EROW = 128
EDGE_ROWS = E // EROW
TROWS = 160
PAD_ROWS = 16 * TROWS
BROWS = 80
CH = 8
NEG_SLOPE = 0.2
NROW0 = 640
NROW15 = 400
NPADS = 10240


def _lrelu(v):
    return jnp.where(v >= 0, v, NEG_SLOPE * v)


def _tc_prep(x, W, a_src, a_dst):
    def body(x_ref, w_ref, as_ref, ad_ref, h_ref, als_ref, ald_ref, c_ref):
        h = lax.dot_general(
            x_ref[...], w_ref[...], (((1,), (0,)), ((), ())),
            precision=lax.Precision.HIGHEST,
            preferred_element_type=jnp.float32)
        h_ref[...] = h
        als = jnp.sum(h * as_ref[...][None, :], axis=1)
        ald = jnp.sum(h * ad_ref[...][None, :], axis=1)
        als_ref[...] = als
        ald_ref[...] = ald
        c = _lrelu(jnp.max(als) + jnp.max(ald))
        c_ref[...] = jnp.full((LANES,), c, jnp.float32)

    return pl.pallas_call(
        body,
        out_shape=[
            jax.ShapeDtypeStruct((N, D), jnp.float32),
            jax.ShapeDtypeStruct((N,), jnp.float32),
            jax.ShapeDtypeStruct((N,), jnp.float32),
            jax.ShapeDtypeStruct((LANES,), jnp.float32),
        ],
    )(x, W, a_src, a_dst)


def _tc_finish(acc, s, h, als, ald, cvec, bias):
    def body(acc_ref, s_ref, h_ref, als_ref, ald_ref, c_ref, b_ref, o_ref):
        sinit = jnp.exp(_lrelu(als_ref[...] + ald_ref[...]) - c_ref[0])
        denom = s_ref[0] + s_ref[1] + sinit
        num = acc_ref[0] + acc_ref[1] + sinit[:, None] * h_ref[...]
        o_ref[...] = num / denom[:, None] + b_ref[...][None, :]

    return pl.pallas_call(
        body,
        out_shape=jax.ShapeDtypeStruct((N, D), jnp.float32),
    )(acc, s, h, als, ald, cvec, bias)


def _sc_gat(src2d, dst2d, h, als, ald, cvec):
    mesh = plsc.VectorSubcoreMesh(core_axis_name="c", subcore_axis_name="s")
    cp = pltpu.CompilerParams()
    if "needs_layout_passes" in pltpu.CompilerParams.__dataclass_fields__:
        cp = dataclasses.replace(cp, needs_layout_passes=False)

    @functools.partial(
        pl.kernel,
        out_type=[
            jax.ShapeDtypeStruct((2, N, D), jnp.float32),
            jax.ShapeDtypeStruct((2, NPADS), jnp.float32),
        ],
        mesh=mesh,
        compiler_params=cp,
        scratch_types=[
            pltpu.VMEM((N,), jnp.float32),
            pltpu.VMEM((N,), jnp.float32),
            pltpu.VMEM((CH, EROW), jnp.int32),
            pltpu.VMEM((CH, EROW), jnp.int32),
            pltpu.VMEM((EROW,), jnp.float32),
            pltpu.VMEM((EROW, D), jnp.float32),
            pltpu.VMEM((LANES,), jnp.float32),
            pltpu.VMEM_SHARED((NPADS,), jnp.float32),
            pltpu.VMEM_SHARED((N, D), jnp.float32),
            pltpu.SemaphoreType.DMA,
            pltpu.SemaphoreType.DMA,
        ],
    )
    def k(src_hbm, dst_hbm, h_hbm, als_hbm, ald_hbm, c_hbm,
          acc_hbm, s_hbm, as_v, ad_v, src_c, dst_c, wrow, rows_v,
          c_v, s_sh, out_sh, sem_a, sem_b):
        cid = lax.axis_index("c")
        sid = lax.axis_index("s")

        pltpu.sync_copy(als_hbm, as_v)
        pltpu.sync_copy(ald_hbm, ad_v)
        pltpu.sync_copy(c_hbm, c_v)

        @pl.loop(0, EROW)
        def _(r):
            for kk in range(D // LANES):
                rows_v[r, pl.ds(kk * LANES, LANES)] = (
                    jnp.zeros((LANES,), jnp.float32))
        for kk in range(EROW // LANES):
            wrow[pl.ds(kk * LANES, LANES)] = jnp.zeros((LANES,), jnp.float32)

        def zero_range(r0, sz):
            @pl.loop(0, sz // BROWS)
            def _(q):
                q0 = r0 + q * BROWS
                pltpu.sync_copy(rows_v.at[pl.ds(0, BROWS)],
                                out_sh.at[pl.ds(q0, BROWS)])
                pltpu.sync_copy(wrow.at[pl.ds(0, BROWS)],
                                s_sh.at[pl.ds(q0, BROWS)])

        @pl.when(sid < 15)
        def _():
            zero_range(sid * NROW0, NROW0)

        @pl.when(sid == 15)
        def _():
            zero_range(15 * NROW0, NROW15)

        plsc.subcore_barrier()

        @pl.loop(0, BROWS // CH)
        def _(cb):
            row0 = sid * TROWS + cid * BROWS + cb * CH
            pltpu.sync_copy(src_hbm.at[pl.ds(row0, CH)], src_c)
            pltpu.sync_copy(dst_hbm.at[pl.ds(row0, CH)], dst_c)

            @pl.loop(0, CH)
            def _(j):
                @pl.when(row0 + j < EDGE_ROWS)
                def _():
                    HALF = EROW // 2
                    ca = pltpu.async_copy(
                        h_hbm.at[src_c.at[j, pl.ds(0, HALF)]],
                        rows_v.at[pl.ds(0, HALF)], sem_a)
                    cb = pltpu.async_copy(
                        h_hbm.at[src_c.at[j, pl.ds(HALF, HALF)]],
                        rows_v.at[pl.ds(HALF, HALF)], sem_b)

                    for kk in range(EROW // LANES):
                        sl = pl.ds(kk * LANES, LANES)
                        sv = src_c[j, sl]
                        dv = dst_c[j, sl]
                        es = plsc.load_gather(as_v, [sv])
                        ed = plsc.load_gather(ad_v, [dv])
                        e = _lrelu(es + ed)
                        wrow[sl] = jnp.exp(e - c_v[...])
                    pltpu.sync_copy(wrow, s_sh.at[dst_c.at[j]], add=True)

                    def scale(r0):
                        @pl.loop(r0, r0 + HALF)
                        def _(r):
                            splat = plsc.load_gather(
                                wrow, [jnp.full((LANES,), r, jnp.int32)])
                            for kk in range(D // LANES):
                                sl = pl.ds(kk * LANES, LANES)
                                rows_v[r, sl] = rows_v[r, sl] * splat

                    ca.wait()
                    scale(0)
                    cb.wait()
                    scale(HALF)

                    pltpu.sync_copy(rows_v, out_sh.at[dst_c.at[j]],
                                    add=True)

        plsc.subcore_barrier()

        pltpu.sync_copy(s_sh.at[pl.ds(sid * NROW0, NROW0)],
                        s_hbm.at[cid, pl.ds(sid * NROW0, NROW0)])

        @pl.when(sid < 15)
        def _():
            pltpu.sync_copy(out_sh.at[pl.ds(sid * NROW0, NROW0)],
                            acc_hbm.at[cid, pl.ds(sid * NROW0, NROW0)])

        @pl.when(sid == 15)
        def _():
            pltpu.sync_copy(out_sh.at[pl.ds(15 * NROW0, NROW15)],
                            acc_hbm.at[cid, pl.ds(15 * NROW0, NROW15)])

    return k(src2d, dst2d, h, als, ald, cvec)


def kernel(x, edge_index, W, a_src, a_dst, bias):
    h, als, ald, cvec = _tc_prep(x, W, a_src, a_dst)
    pad = PAD_ROWS * EROW - E
    src2d = jnp.concatenate(
        [edge_index[0], jnp.zeros((pad,), jnp.int32)]).reshape(PAD_ROWS, EROW)
    dst2d = jnp.concatenate(
        [edge_index[1], jnp.zeros((pad,), jnp.int32)]).reshape(PAD_ROWS, EROW)
    acc, s = _sc_gat(src2d, dst2d, h, als, ald, cvec)
    return _tc_finish(acc, s[:, :N], h, als, ald, cvec, bias)

# --- scband reference (transcript-rebuilt; emitter-appended) ---
"""Pipeline reference for scband-gatmodel-87771951661694 (READ-ONLY COPY).

The authoritative reference and input builder live on the scoring server;
editing this copy changes nothing except your own understanding.
"""

import jax, jax.numpy as jnp
import numpy as np

N = 10000
E = 320000
D_IN = 128
D_OUT = 128


def setup_inputs(seed: int = 0) -> dict:
    key = jax.random.key(seed)
    k1, k2, k3, k4, k5 = jax.random.split(key, 5)
    x = jax.random.normal(k1, (N, D_IN), dtype=jnp.float32)
    edge_index = jax.random.randint(k2, (2, E), 0, N, dtype=jnp.int32)
    W = jax.random.normal(k3, (D_IN, D_OUT), dtype=jnp.float32) * (1.0 / np.sqrt(D_IN))
    a_src = jax.random.normal(k4, (D_OUT,), dtype=jnp.float32) * 0.1
    a_dst = jax.random.normal(k5, (D_OUT,), dtype=jnp.float32) * 0.1
    bias = jnp.zeros((D_OUT,), dtype=jnp.float32)
    return {"x": x, "edge_index": edge_index, "W": W, "a_src": a_src, "a_dst": a_dst, "bias": bias}


def reference(x, edge_index, W, a_src, a_dst, bias):
    # GATConv (single head, concat, add_self_loops=True, negative_slope=0.2)
    loops = jnp.arange(N, dtype=edge_index.dtype)
    ei = jnp.concatenate([edge_index, jnp.stack([loops, loops], axis=0)], axis=1)
    src, dst = ei[0], ei[1]
    h = x @ W                                   # [N, D_OUT]
    alpha_s = (h * a_src).sum(axis=-1)          # [N]
    alpha_d = (h * a_dst).sum(axis=-1)          # [N]
    e = alpha_s[src] + alpha_d[dst]             # gather per edge
    e = jax.nn.leaky_relu(e, negative_slope=0.2)
    # numerically-stable softmax over incoming edges of each dst node
    m = jax.ops.segment_max(e, dst, num_segments=N)
    e = jnp.exp(e - m[dst])
    s = jax.ops.segment_sum(e, dst, num_segments=N)
    alpha = e / s[dst]
    out = jax.ops.segment_sum(h[src] * alpha[:, None], dst, num_segments=N)
    return out + bias

if __name__ == "__main__":
    import jax
    _d = setup_inputs()
    print(jax.jit(kernel)(*tuple(_d.values())))

</pallas_src>

<mosaic_0001>
#map = affine_map<(d0, d1) -> (0, 0)>
#map1 = affine_map<(d0, d1) -> (0)>
#map2 = affine_map<(d0, d1) -> (0, 0, 0)>
module attributes {stable_mosaic.version = 14 : i64} {
  func.func @k(%arg0: i32, %arg1: i32, %arg2: memref<2560x128xi32, #tpu.memory_space<hbm>>, %arg3: memref<2560x128xi32, #tpu.memory_space<hbm>>, %arg4: memref<10000x128xf32, #tpu.memory_space<hbm>>, %arg5: memref<10000xf32, #tpu.memory_space<hbm>>, %arg6: memref<10000xf32, #tpu.memory_space<hbm>>, %arg7: memref<16xf32, #tpu.memory_space<hbm>>, %arg8: memref<2x10000x128xf32, #tpu.memory_space<hbm>>, %arg9: memref<2x10240xf32, #tpu.memory_space<hbm>>, %arg10: memref<10000xf32, #tpu.memory_space<vmem>>, %arg11: memref<10000xf32, #tpu.memory_space<vmem>>, %arg12: memref<8x128xi32, #tpu.memory_space<vmem>>, %arg13: memref<8x128xi32, #tpu.memory_space<vmem>>, %arg14: memref<128xf32, #tpu.memory_space<vmem>>, %arg15: memref<128x128xf32, #tpu.memory_space<vmem>>, %arg16: memref<16xf32, #tpu.memory_space<vmem>>, %arg17: memref<10240xf32, #tpu.memory_space<vmem_shared>>, %arg18: memref<10000x128xf32, #tpu.memory_space<vmem_shared>>, %arg19: memref<!tpu.dma_semaphore, #tpu.memory_space<semaphore_mem>>, %arg20: memref<!tpu.dma_semaphore, #tpu.memory_space<semaphore_mem>>) attributes {dimension_semantics = [#tpu.dimension_semantics<core_parallel>, #tpu.dimension_semantics<subcore_parallel>], iteration_bounds = array<i64: 2, 16>, scalar_prefetch = 0 : i64, scratch_operands = 11 : i64, tpu.core_type = #tpu.core_type<sc_vector_subcore>, window_params = [{transform_indices = #map}, {transform_indices = #map}, {transform_indices = #map}, {transform_indices = #map1}, {transform_indices = #map1}, {transform_indices = #map1}, {transform_indices = #map2}, {transform_indices = #map}]} {
    "tpu.region"() ({
      %run_scoped3A = tpu.sem_alloc : memref<!tpu.dma_semaphore, #tpu.memory_space<semaphore_mem>>
      tpu.enqueue_dma source(%arg5 : memref<10000xf32, #tpu.memory_space<hbm>>) target(%arg10 : memref<10000xf32, #tpu.memory_space<vmem>>) target_semaphore(%run_scoped3A : memref<!tpu.dma_semaphore, #tpu.memory_space<semaphore_mem>>)
      tpu.wait_dma2 semaphore(%run_scoped3A : memref<!tpu.dma_semaphore, #tpu.memory_space<semaphore_mem>>) src(%arg5 : memref<10000xf32, #tpu.memory_space<hbm>>) dst(%arg10 : memref<10000xf32, #tpu.memory_space<vmem>>)
      tpu.yield
    }) : () -> ()
    "tpu.region"() ({
      %run_scoped3A = tpu.sem_alloc : memref<!tpu.dma_semaphore, #tpu.memory_space<semaphore_mem>>
      tpu.enqueue_dma source(%arg6 : memref<10000xf32, #tpu.memory_space<hbm>>) target(%arg11 : memref<10000xf32, #tpu.memory_space<vmem>>) target_semaphore(%run_scoped3A : memref<!tpu.dma_semaphore, #tpu.memory_space<semaphore_mem>>)
      tpu.wait_dma2 semaphore(%run_scoped3A : memref<!tpu.dma_semaphore, #tpu.memory_space<semaphore_mem>>) src(%arg6 : memref<10000xf32, #tpu.memory_space<hbm>>) dst(%arg11 : memref<10000xf32, #tpu.memory_space<vmem>>)
      tpu.yield
    }) : () -> ()
    "tpu.region"() ({
      %run_scoped3A = tpu.sem_alloc : memref<!tpu.dma_semaphore, #tpu.memory_space<semaphore_mem>>
      tpu.enqueue_dma source(%arg7 : memref<16xf32, #tpu.memory_space<hbm>>) target(%arg16 : memref<16xf32, #tpu.memory_space<vmem>>) target_semaphore(%run_scoped3A : memref<!tpu.dma_semaphore, #tpu.memory_space<semaphore_mem>>)
      tpu.wait_dma2 semaphore(%run_scoped3A : memref<!tpu.dma_semaphore, #tpu.memory_space<semaphore_mem>>) src(%arg7 : memref<16xf32, #tpu.memory_space<hbm>>) dst(%arg16 : memref<16xf32, #tpu.memory_space<vmem>>)
      tpu.yield
    }) : () -> ()
    %scan3A = arith.constant 0 : i32
    %scan3A_0 = arith.constant 128 : i32
    %scan3A_1 = arith.addi %scan3A, %scan3A_0 : i32
    %scan3A_2 = arith.constant 1 : i32
    scf.for %scan3A_59 = %scan3A to %scan3A_1 step %scan3A_2  : i32 {
      %mul3A_60 = arith.constant 1 : i32
      %mul3A_61 = arith.muli %scan3A_59, %mul3A_60 : i32
      %add3A = arith.constant 0 : i32
      %add3A_62 = arith.addi %add3A, %mul3A_61 : i32
      %broadcast_in_dim3A_63 = arith.constant 0.000000e+00 : f32
      %broadcast_in_dim3A_64 = vector.broadcast %broadcast_in_dim3A_63 : f32 to vector<16xf32>
      %swap3A_65 = arith.index_cast %add3A_62 : i32 to index
      %swap3A_66 = arith.constant 0 : index
      %swap3A_67 = tpu.vector_load %arg15[%swap3A_65, %swap3A_66] {strides = array<i32>} : memref<128x128xf32, #tpu.memory_space<vmem>>, vector<16xf32>,
      tpu.vector_store %arg15[%swap3A_65, %swap3A_66], %broadcast_in_dim3A_64 {strides = array<i32>} : memref<128x128xf32, #tpu.memory_space<vmem>>, vector<16xf32>,
      %broadcast_in_dim3A_68 = arith.constant 0.000000e+00 : f32
      %broadcast_in_dim3A_69 = vector.broadcast %broadcast_in_dim3A_68 : f32 to vector<16xf32>
      %swap3A_70 = arith.index_cast %add3A_62 : i32 to index
      %swap3A_71 = arith.constant 16 : index
      %swap3A_72 = tpu.vector_load %arg15[%swap3A_70, %swap3A_71] {strides = array<i32>} : memref<128x128xf32, #tpu.memory_space<vmem>>, vector<16xf32>,
      tpu.vector_store %arg15[%swap3A_70, %swap3A_71], %broadcast_in_dim3A_69 {strides = array<i32>} : memref<128x128xf32, #tpu.memory_space<vmem>>, vector<16xf32>,
      %broadcast_in_dim3A_73 = arith.constant 0.000000e+00 : f32
      %broadcast_in_dim3A_74 = vector.broadcast %broadcast_in_dim3A_73 : f32 to vector<16xf32>
      %swap3A_75 = arith.index_cast %add3A_62 : i32 to index
      %swap3A_76 = arith.constant 32 : index
      %swap3A_77 = tpu.vector_load %arg15[%swap3A_75, %swap3A_76] {strides = array<i32>} : memref<128x128xf32, #tpu.memory_space<vmem>>, vector<16xf32>,
      tpu.vector_store %arg15[%swap3A_75, %swap3A_76], %broadcast_in_dim3A_74 {strides = array<i32>} : memref<128x128xf32, #tpu.memory_space<vmem>>, vector<16xf32>,
      %broadcast_in_dim3A_78 = arith.constant 0.000000e+00 : f32
      %broadcast_in_dim3A_79 = vector.broadcast %broadcast_in_dim3A_78 : f32 to vector<16xf32>
      %swap3A_80 = arith.index_cast %add3A_62 : i32 to index
      %swap3A_81 = arith.constant 48 : index
      %swap3A_82 = tpu.vector_load %arg15[%swap3A_80, %swap3A_81] {strides = array<i32>} : memref<128x128xf32, #tpu.memory_space<vmem>>, vector<16xf32>,
      tpu.vector_store %arg15[%swap3A_80, %swap3A_81], %broadcast_in_dim3A_79 {strides = array<i32>} : memref<128x128xf32, #tpu.memory_space<vmem>>, vector<16xf32>,
      %broadcast_in_dim3A_83 = arith.constant 0.000000e+00 : f32
      %broadcast_in_dim3A_84 = vector.broadcast %broadcast_in_dim3A_83 : f32 to vector<16xf32>
      %swap3A_85 = arith.index_cast %add3A_62 : i32 to index
      %swap3A_86 = arith.constant 64 : index
      %swap3A_87 = tpu.vector_load %arg15[%swap3A_85, %swap3A_86] {strides = array<i32>} : memref<128x128xf32, #tpu.memory_space<vmem>>, vector<16xf32>,
      tpu.vector_store %arg15[%swap3A_85, %swap3A_86], %broadcast_in_dim3A_84 {strides = array<i32>} : memref<128x128xf32, #tpu.memory_space<vmem>>, vector<16xf32>,
      %broadcast_in_dim3A_88 = arith.constant 0.000000e+00 : f32
      %broadcast_in_dim3A_89 = vector.broadcast %broadcast_in_dim3A_88 : f32 to vector<16xf32>
      %swap3A_90 = arith.index_cast %add3A_62 : i32 to index
      %swap3A_91 = arith.constant 80 : index
      %swap3A_92 = tpu.vector_load %arg15[%swap3A_90, %swap3A_91] {strides = array<i32>} : memref<128x128xf32, #tpu.memory_space<vmem>>, vector<16xf32>,
      tpu.vector_store %arg15[%swap3A_90, %swap3A_91], %broadcast_in_dim3A_89 {strides = array<i32>} : memref<128x128xf32, #tpu.memory_space<vmem>>, vector<16xf32>,
      %broadcast_in_dim3A_93 = arith.constant 0.000000e+00 : f32
      %broadcast_in_dim3A_94 = vector.broadcast %broadcast_in_dim3A_93 : f32 to vector<16xf32>
      %swap3A_95 = arith.index_cast %add3A_62 : i32 to index
      %swap3A_96 = arith.constant 96 : index
      %swap3A_97 = tpu.vector_load %arg15[%swap3A_95, %swap3A_96] {strides = array<i32>} : memref<128x128xf32, #tpu.memory_space<vmem>>, vector<16xf32>,
      tpu.vector_store %arg15[%swap3A_95, %swap3A_96], %broadcast_in_dim3A_94 {strides = array<i32>} : memref<128x128xf32, #tpu.memory_space<vmem>>, vector<16xf32>,
      %broadcast_in_dim3A_98 = arith.constant 0.000000e+00 : f32
      %broadcast_in_dim3A_99 = vector.broadcast %broadcast_in_dim3A_98 : f32 to vector<16xf32>
      %swap3A_100 = arith.index_cast %add3A_62 : i32 to index
      %swap3A_101 = arith.constant 112 : index
      %swap3A_102 = tpu.vector_load %arg15[%swap3A_100, %swap3A_101] {strides = array<i32>} : memref<128x128xf32, #tpu.memory_space<vmem>>, vector<16xf32>,
      tpu.vector_store %arg15[%swap3A_100, %swap3A_101], %broadcast_in_dim3A_99 {strides = array<i32>} : memref<128x128xf32, #tpu.memory_space<vmem>>, vector<16xf32>,
    }
    %scan3A_3 = arith.constant 128 : i32
    %broadcast_in_dim3A = arith.constant 0.000000e+00 : f32
    %broadcast_in_dim3A_4 = vector.broadcast %broadcast_in_dim3A : f32 to vector<16xf32>
    %swap3A = arith.constant 0 : index
    %swap3A_5 = tpu.vector_load %arg14[%swap3A] {strides = array<i32>} : memref<128xf32, #tpu.memory_space<vmem>>, vector<16xf32>,
    tpu.vector_store %arg14[%swap3A], %broadcast_in_dim3A_4 {strides = array<i32>} : memref<128xf32, #tpu.memory_space<vmem>>, vector<16xf32>,
    %broadcast_in_dim3A_6 = arith.constant 0.000000e+00 : f32
    %broadcast_in_dim3A_7 = vector.broadcast %broadcast_in_dim3A_6 : f32 to vector<16xf32>
    %swap3A_8 = arith.constant 16 : index
    %swap3A_9 = tpu.vector_load %arg14[%swap3A_8] {strides = array<i32>} : memref<128xf32, #tpu.memory_space<vmem>>, vector<16xf32>,
    tpu.vector_store %arg14[%swap3A_8], %broadcast_in_dim3A_7 {strides = array<i32>} : memref<128xf32, #tpu.memory_space<vmem>>, vector<16xf32>,
    %broadcast_in_dim3A_10 = arith.constant 0.000000e+00 : f32
    %broadcast_in_dim3A_11 = vector.broadcast %broadcast_in_dim3A_10 : f32 to vector<16xf32>
    %swap3A_12 = arith.constant 32 : index
    %swap3A_13 = tpu.vector_load %arg14[%swap3A_12] {strides = array<i32>} : memref<128xf32, #tpu.memory_space<vmem>>, vector<16xf32>,
    tpu.vector_store %arg14[%swap3A_12], %broadcast_in_dim3A_11 {strides = array<i32>} : memref<128xf32, #tpu.memory_space<vmem>>, vector<16xf32>,
    %broadcast_in_dim3A_14 = arith.constant 0.000000e+00 : f32
    %broadcast_in_dim3A_15 = vector.broadcast %broadcast_in_dim3A_14 : f32 to vector<16xf32>
    %swap3A_16 = arith.constant 48 : index
    %swap3A_17 = tpu.vector_load %arg14[%swap3A_16] {strides = array<i32>} : memref<128xf32, #tpu.memory_space<vmem>>, vector<16xf32>,
    tpu.vector_store %arg14[%swap3A_16], %broadcast_in_dim3A_15 {strides = array<i32>} : memref<128xf32, #tpu.memory_space<vmem>>, vector<16xf32>,
    %broadcast_in_dim3A_18 = arith.constant 0.000000e+00 : f32
    %broadcast_in_dim3A_19 = vector.broadcast %broadcast_in_dim3A_18 : f32 to vector<16xf32>
    %swap3A_20 = arith.constant 64 : index
    %swap3A_21 = tpu.vector_load %arg14[%swap3A_20] {strides = array<i32>} : memref<128xf32, #tpu.memory_space<vmem>>, vector<16xf32>,
    tpu.vector_store %arg14[%swap3A_20], %broadcast_in_dim3A_19 {strides = array<i32>} : memref<128xf32, #tpu.memory_space<vmem>>, vector<16xf32>,
    %broadcast_in_dim3A_22 = arith.constant 0.000000e+00 : f32
    %broadcast_in_dim3A_23 = vector.broadcast %broadcast_in_dim3A_22 : f32 to vector<16xf32>
    %swap3A_24 = arith.constant 80 : index
    %swap3A_25 = tpu.vector_load %arg14[%swap3A_24] {strides = array<i32>} : memref<128xf32, #tpu.memory_space<vmem>>, vector<16xf32>,
    tpu.vector_store %arg14[%swap3A_24], %broadcast_in_dim3A_23 {strides = array<i32>} : memref<128xf32, #tpu.memory_space<vmem>>, vector<16xf32>,
    %broadcast_in_dim3A_26 = arith.constant 0.000000e+00 : f32
    %broadcast_in_dim3A_27 = vector.broadcast %broadcast_in_dim3A_26 : f32 to vector<16xf32>
    %swap3A_28 = arith.constant 96 : index
    %swap3A_29 = tpu.vector_load %arg14[%swap3A_28] {strides = array<i32>} : memref<128xf32, #tpu.memory_space<vmem>>, vector<16xf32>,
    tpu.vector_store %arg14[%swap3A_28], %broadcast_in_dim3A_27 {strides = array<i32>} : memref<128xf32, #tpu.memory_space<vmem>>, vector<16xf32>,
    %broadcast_in_dim3A_30 = arith.constant 0.000000e+00 : f32
    %broadcast_in_dim3A_31 = vector.broadcast %broadcast_in_dim3A_30 : f32 to vector<16xf32>
    %swap3A_32 = arith.constant 112 : index
    %swap3A_33 = tpu.vector_load %arg14[%swap3A_32] {strides = array<i32>} : memref<128xf32, #tpu.memory_space<vmem>>, vector<16xf32>,
    tpu.vector_store %arg14[%swap3A_32], %broadcast_in_dim3A_31 {strides = array<i32>} : memref<128xf32, #tpu.memory_space<vmem>>, vector<16xf32>,
    %lt3A = arith.constant 15 : i32
    %lt3A_34 = arith.cmpi slt, %arg1, %lt3A : i32
    %convert_element_type3A = arith.extui %lt3A_34 : i1 to i32
    %cond3A = arith.constant 0 : i32
    %cond3A_35 = arith.cmpi ne, %convert_element_type3A, %cond3A : i32
    scf.if %cond3A_35 {
      %mul3A_59 = arith.constant 640 : i32
      %mul3A_60 = arith.muli %arg1, %mul3A_59 : i32
      %scan3A_61 = arith.constant 0 : i32
      %scan3A_62 = arith.constant 8 : i32
      %scan3A_63 = arith.addi %scan3A_61, %scan3A_62 : i32
      %scan3A_64 = arith.constant 1 : i32
      scf.for %scan3A_66 = %scan3A_61 to %scan3A_63 step %scan3A_64  : i32 {
        %mul3A_67 = arith.constant 1 : i32
        %mul3A_68 = arith.muli %scan3A_66, %mul3A_67 : i32
        %add3A = arith.constant 0 : i32
        %add3A_69 = arith.addi %add3A, %mul3A_68 : i32
        %mul3A_70 = arith.constant 80 : i32
        %mul3A_71 = arith.muli %add3A_69, %mul3A_70 : i32
        %add3A_72 = arith.addi %mul3A_60, %mul3A_71 : i32
        "tpu.region"() ({
          %run_scoped3A = tpu.sem_alloc : memref<!tpu.dma_semaphore, #tpu.memory_space<semaphore_mem>>
          %dma_start3A = arith.constant 0 : i32
          %dma_start3A_73 = arith.constant 0 : i32
          %dma_start3A_74 = tpu.memref_slice %arg15[%dma_start3A, %dma_start3A_73] : memref<128x128xf32, #tpu.memory_space<vmem>> -> memref<80x128xf32, #tpu.memory_space<vmem>>
          %dma_start3A_75 = arith.constant 0 : i32
          %dma_start3A_76 = tpu.memref_slice %arg18[%add3A_72, %dma_start3A_75] : memref<10000x128xf32, #tpu.memory_space<vmem_shared>> -> memref<80x128xf32, #tpu.memory_space<vmem_shared>>
          %dma_start3A_77 = arith.constant 0 : i32
          %dma_start3A_78 = tpu.memref_slice %arg18[%add3A_72, %dma_start3A_77] : memref<10000x128xf32, #tpu.memory_space<vmem_shared>> -> memref<80x128xf32, #tpu.memory_space<vmem_shared>>
          %dma_start3A_79 = arith.constant 0 : i32
          %dma_start3A_80 = arith.constant 0 : i32
          %dma_start3A_81 = tpu.memref_slice %arg15[%dma_start3A_79, %dma_start3A_80] : memref<128x128xf32, #tpu.memory_space<vmem>> -> memref<80x128xf32, #tpu.memory_space<vmem>>
          tpu.enqueue_dma source(%dma_start3A_81 : memref<80x128xf32, #tpu.memory_space<vmem>>) target(%dma_start3A_78 : memref<80x128xf32, #tpu.memory_space<vmem_shared>>) target_semaphore(%run_scoped3A : memref<!tpu.dma_semaphore, #tpu.memory_space<semaphore_mem>>)
          %dma_wait3A = arith.constant 0 : i32
          %dma_wait3A_82 = arith.constant 0 : i32
          %dma_wait3A_83 = tpu.memref_slice %arg15[%dma_wait3A, %dma_wait3A_82] : memref<128x128xf32, #tpu.memory_space<vmem>> -> memref<80x128xf32, #tpu.memory_space<vmem>>
          %dma_wait3A_84 = arith.constant 0 : i32
          %dma_wait3A_85 = tpu.memref_slice %arg18[%add3A_72, %dma_wait3A_84] : memref<10000x128xf32, #tpu.memory_space<vmem_shared>> -> memref<80x128xf32, #tpu.memory_space<vmem_shared>>
          %dma_wait3A_86 = arith.constant 0 : i32
          %dma_wait3A_87 = tpu.memref_slice %arg18[%add3A_72, %dma_wait3A_86] : memref<10000x128xf32, #tpu.memory_space<vmem_shared>> -> memref<80x128xf32, #tpu.memory_space<vmem_shared>>
          %dma_wait3A_88 = arith.constant 0 : i32
          %dma_wait3A_89 = arith.constant 0 : i32
          %dma_wait3A_90 = tpu.memref_slice %arg15[%dma_wait3A_88, %dma_wait3A_89] : memref<128x128xf32, #tpu.memory_space<vmem>> -> memref<80x128xf32, #tpu.memory_space<vmem>>
          tpu.wait_dma2 semaphore(%run_scoped3A : memref<!tpu.dma_semaphore, #tpu.memory_space<semaphore_mem>>) src(%dma_wait3A_90 : memref<80x128xf32, #tpu.memory_space<vmem>>) dst(%dma_wait3A_87 : memref<80x128xf32, #tpu.memory_space<vmem_shared>>)
          tpu.yield
        }) : () -> ()
        "tpu.region"() ({
          %run_scoped3A = tpu.sem_alloc : memref<!tpu.dma_semaphore, #tpu.memory_space<semaphore_mem>>
          %dma_start3A = arith.constant 0 : i32
          %dma_start3A_73 = tpu.memref_slice %arg14[%dma_start3A] : memref<128xf32, #tpu.memory_space<vmem>> -> memref<80xf32, #tpu.memory_space<vmem>>
          %dma_start3A_74 = tpu.memref_slice %arg17[%add3A_72] : memref<10240xf32, #tpu.memory_space<vmem_shared>> -> memref<80xf32, #tpu.memory_space<vmem_shared>>
          %dma_start3A_75 = tpu.memref_slice %arg17[%add3A_72] : memref<10240xf32, #tpu.memory_space<vmem_shared>> -> memref<80xf32, #tpu.memory_space<vmem_shared>>
          %dma_start3A_76 = arith.constant 0 : i32
          %dma_start3A_77 = tpu.memref_slice %arg14[%dma_start3A_76] : memref<128xf32, #tpu.memory_space<vmem>> -> memref<80xf32, #tpu.memory_space<vmem>>
          tpu.enqueue_dma source(%dma_start3A_77 : memref<80xf32, #tpu.memory_space<vmem>>) target(%dma_start3A_75 : memref<80xf32, #tpu.memory_space<vmem_shared>>) target_semaphore(%run_scoped3A : memref<!tpu.dma_semaphore, #tpu.memory_space<semaphore_mem>>)
          %dma_wait3A = arith.constant 0 : i32
          %dma_wait3A_78 = tpu.memref_slice %arg14[%dma_wait3A] : memref<128xf32, #tpu.memory_space<vmem>> -> memref<80xf32, #tpu.memory_space<vmem>>
          %dma_wait3A_79 = tpu.memref_slice %arg17[%add3A_72] : memref<10240xf32, #tpu.memory_space<vmem_shared>> -> memref<80xf32, #tpu.memory_space<vmem_shared>>
          %dma_wait3A_80 = tpu.memref_slice %arg17[%add3A_72] : memref<10240xf32, #tpu.memory_space<vmem_shared>> -> memref<80xf32, #tpu.memory_space<vmem_shared>>
          %dma_wait3A_81 = arith.constant 0 : i32
          %dma_wait3A_82 = tpu.memref_slice %arg14[%dma_wait3A_81] : memref<128xf32, #tpu.memory_space<vmem>> -> memref<80xf32, #tpu.memory_space<vmem>>
          tpu.wait_dma2 semaphore(%run_scoped3A : memref<!tpu.dma_semaphore, #tpu.memory_space<semaphore_mem>>) src(%dma_wait3A_82 : memref<80xf32, #tpu.memory_space<vmem>>) dst(%dma_wait3A_80 : memref<80xf32, #tpu.memory_space<vmem_shared>>)
          tpu.yield
        }) : () -> ()
      }
      %scan3A_65 = arith.constant 8 : i32
    } else {
    }
    %eq3A = arith.constant 15 : i32
    %eq3A_36 = arith.cmpi eq, %arg1, %eq3A : i32
    %convert_element_type3A_37 = arith.extui %eq3A_36 : i1 to i32
    %cond3A_38 = arith.constant 0 : i32
    %cond3A_39 = arith.cmpi ne, %convert_element_type3A_37, %cond3A_38 : i32
    scf.if %cond3A_39 {
      %scan3A_59 = arith.constant 0 : i32
      %scan3A_60 = arith.constant 5 : i32
      %scan3A_61 = arith.addi %scan3A_59, %scan3A_60 : i32
      %scan3A_62 = arith.constant 1 : i32
      scf.for %scan3A_64 = %scan3A_59 to %scan3A_61 step %scan3A_62  : i32 {
        %mul3A_65 = arith.constant 1 : i32
        %mul3A_66 = arith.muli %scan3A_64, %mul3A_65 : i32
        %add3A = arith.constant 0 : i32
        %add3A_67 = arith.addi %add3A, %mul3A_66 : i32
        %mul3A_68 = arith.constant 80 : i32
        %mul3A_69 = arith.muli %add3A_67, %mul3A_68 : i32
        %add3A_70 = arith.constant 9600 : i32
        %add3A_71 = arith.addi %add3A_70, %mul3A_69 : i32
        "tpu.region"() ({
          %run_scoped3A = tpu.sem_alloc : memref<!tpu.dma_semaphore, #tpu.memory_space<semaphore_mem>>
          %dma_start3A = arith.constant 0 : i32
          %dma_start3A_72 = arith.constant 0 : i32
          %dma_start3A_73 = tpu.memref_slice %arg15[%dma_start3A, %dma_start3A_72] : memref<128x128xf32, #tpu.memory_space<vmem>> -> memref<80x128xf32, #tpu.memory_space<vmem>>
          %dma_start3A_74 = arith.constant 0 : i32
          %dma_start3A_75 = tpu.memref_slice %arg18[%add3A_71, %dma_start3A_74] : memref<10000x128xf32, #tpu.memory_space<vmem_shared>> -> memref<80x128xf32, #tpu.memory_space<vmem_shared>>
          %dma_start3A_76 = arith.constant 0 : i32
          %dma_start3A_77 = tpu.memref_slice %arg18[%add3A_71, %dma_start3A_76] : memref<10000x128xf32, #tpu.memory_space<vmem_shared>> -> memref<80x128xf32, #tpu.memory_space<vmem_shared>>
          %dma_start3A_78 = arith.constant 0 : i32
          %dma_start3A_79 = arith.constant 0 : i32
          %dma_start3A_80 = tpu.memref_slice %arg15[%dma_start3A_78, %dma_start3A_79] : memref<128x128xf32, #tpu.memory_space<vmem>> -> memref<80x128xf32, #tpu.memory_space<vmem>>
          tpu.enqueue_dma source(%dma_start3A_80 : memref<80x128xf32, #tpu.memory_space<vmem>>) target(%dma_start3A_77 : memref<80x128xf32, #tpu.memory_space<vmem_shared>>) target_semaphore(%run_scoped3A : memref<!tpu.dma_semaphore, #tpu.memory_space<semaphore_mem>>)
          %dma_wait3A = arith.constant 0 : i32
          %dma_wait3A_81 = arith.constant 0 : i32
          %dma_wait3A_82 = tpu.memref_slice %arg15[%dma_wait3A, %dma_wait3A_81] : memref<128x128xf32, #tpu.memory_space<vmem>> -> memref<80x128xf32, #tpu.memory_space<vmem>>
          %dma_wait3A_83 = arith.constant 0 : i32
          %dma_wait3A_84 = tpu.memref_slice %arg18[%add3A_71, %dma_wait3A_83] : memref<10000x128xf32, #tpu.memory_space<vmem_shared>> -> memref<80x128xf32, #tpu.memory_space<vmem_shared>>
          %dma_wait3A_85 = arith.constant 0 : i32
          %dma_wait3A_86 = tpu.memref_slice %arg18[%add3A_71, %dma_wait3A_85] : memref<10000x128xf32, #tpu.memory_space<vmem_shared>> -> memref<80x128xf32, #tpu.memory_space<vmem_shared>>
          %dma_wait3A_87 = arith.constant 0 : i32
          %dma_wait3A_88 = arith.constant 0 : i32
          %dma_wait3A_89 = tpu.memref_slice %arg15[%dma_wait3A_87, %dma_wait3A_88] : memref<128x128xf32, #tpu.memory_space<vmem>> -> memref<80x128xf32, #tpu.memory_space<vmem>>
          tpu.wait_dma2 semaphore(%run_scoped3A : memref<!tpu.dma_semaphore, #tpu.memory_space<semaphore_mem>>) src(%dma_wait3A_89 : memref<80x128xf32, #tpu.memory_space<vmem>>) dst(%dma_wait3A_86 : memref<80x128xf32, #tpu.memory_space<vmem_shared>>)
          tpu.yield
        }) : () -> ()
        "tpu.region"() ({
          %run_scoped3A = tpu.sem_alloc : memref<!tpu.dma_semaphore, #tpu.memory_space<semaphore_mem>>
          %dma_start3A = arith.constant 0 : i32
          %dma_start3A_72 = tpu.memref_slice %arg14[%dma_start3A] : memref<128xf32, #tpu.memory_space<vmem>> -> memref<80xf32, #tpu.memory_space<vmem>>
          %dma_start3A_73 = tpu.memref_slice %arg17[%add3A_71] : memref<10240xf32, #tpu.memory_space<vmem_shared>> -> memref<80xf32, #tpu.memory_space<vmem_shared>>
          %dma_start3A_74 = tpu.memref_slice %arg17[%add3A_71] : memref<10240xf32, #tpu.memory_space<vmem_shared>> -> memref<80xf32, #tpu.memory_space<vmem_shared>>
          %dma_start3A_75 = arith.constant 0 : i32
          %dma_start3A_76 = tpu.memref_slice %arg14[%dma_start3A_75] : memref<128xf32, #tpu.memory_space<vmem>> -> memref<80xf32, #tpu.memory_space<vmem>>
          tpu.enqueue_dma source(%dma_start3A_76 : memref<80xf32, #tpu.memory_space<vmem>>) target(%dma_start3A_74 : memref<80xf32, #tpu.memory_space<vmem_shared>>) target_semaphore(%run_scoped3A : memref<!tpu.dma_semaphore, #tpu.memory_space<semaphore_mem>>)
          %dma_wait3A = arith.constant 0 : i32
          %dma_wait3A_77 = tpu.memref_slice %arg14[%dma_wait3A] : memref<128xf32, #tpu.memory_space<vmem>> -> memref<80xf32, #tpu.memory_space<vmem>>
          %dma_wait3A_78 = tpu.memref_slice %arg17[%add3A_71] : memref<10240xf32, #tpu.memory_space<vmem_shared>> -> memref<80xf32, #tpu.memory_space<vmem_shared>>
          %dma_wait3A_79 = tpu.memref_slice %arg17[%add3A_71] : memref<10240xf32, #tpu.memory_space<vmem_shared>> -> memref<80xf32, #tpu.memory_space<vmem_shared>>
          %dma_wait3A_80 = arith.constant 0 : i32
          %dma_wait3A_81 = tpu.memref_slice %arg14[%dma_wait3A_80] : memref<128xf32, #tpu.memory_space<vmem>> -> memref<80xf32, #tpu.memory_space<vmem>>
          tpu.wait_dma2 semaphore(%run_scoped3A : memref<!tpu.dma_semaphore, #tpu.memory_space<semaphore_mem>>) src(%dma_wait3A_81 : memref<80xf32, #tpu.memory_space<vmem>>) dst(%dma_wait3A_79 : memref<80xf32, #tpu.memory_space<vmem_shared>>)
          tpu.yield
        }) : () -> ()
      }
      %scan3A_63 = arith.constant 5 : i32
    } else {
    }
    %barrier3A = arith.constant 0 : index
    tpu.barrier barrier_id(%barrier3A)
    %scan3A_40 = arith.constant 0 : i32
    %scan3A_41 = arith.constant 10 : i32
    %scan3A_42 = arith.addi %scan3A_40, %scan3A_41 : i32
    %scan3A_43 = arith.constant 1 : i32
    scf.for %scan3A_59 = %scan3A_40 to %scan3A_42 step %scan3A_43  : i32 {
      %mul3A_60 = arith.constant 1 : i32
      %mul3A_61 = arith.muli %scan3A_59, %mul3A_60 : i32
      %add3A = arith.constant 0 : i32
      %add3A_62 = arith.addi %add3A, %mul3A_61 : i32
      %mul3A_63 = arith.constant 160 : i32
      %mul3A_64 = arith.muli %arg1, %mul3A_63 : i32
      %mul3A_65 = arith.constant 80 : i32
      %mul3A_66 = arith.muli %arg0, %mul3A_65 : i32
      %add3A_67 = arith.addi %mul3A_64, %mul3A_66 : i32
      %mul3A_68 = arith.constant 8 : i32
      %mul3A_69 = arith.muli %add3A_62, %mul3A_68 : i32
      %add3A_70 = arith.addi %add3A_67, %mul3A_69 : i32
      "tpu.region"() ({
        %run_scoped3A = tpu.sem_alloc : memref<!tpu.dma_semaphore, #tpu.memory_space<semaphore_mem>>
        %dma_start3A = arith.constant 0 : i32
        %dma_start3A_76 = tpu.memref_slice %arg2[%add3A_70, %dma_start3A] : memref<2560x128xi32, #tpu.memory_space<hbm>> -> memref<8x128xi32, #tpu.memory_space<hbm>>
        %dma_start3A_77 = arith.constant 0 : i32
        %dma_start3A_78 = tpu.memref_slice %arg2[%add3A_70, %dma_start3A_77] : memref<2560x128xi32, #tpu.memory_space<hbm>> -> memref<8x128xi32, #tpu.memory_space<hbm>>
        tpu.enqueue_dma source(%dma_start3A_78 : memref<8x128xi32, #tpu.memory_space<hbm>>) target(%arg12 : memref<8x128xi32, #tpu.memory_space<vmem>>) target_semaphore(%run_scoped3A : memref<!tpu.dma_semaphore, #tpu.memory_space<semaphore_mem>>)
        %dma_wait3A = arith.constant 0 : i32
        %dma_wait3A_79 = tpu.memref_slice %arg2[%add3A_70, %dma_wait3A] : memref<2560x128xi32, #tpu.memory_space<hbm>> -> memref<8x128xi32, #tpu.memory_space<hbm>>
        %dma_wait3A_80 = arith.constant 0 : i32
        %dma_wait3A_81 = tpu.memref_slice %arg2[%add3A_70, %dma_wait3A_80] : memref<2560x128xi32, #tpu.memory_space<hbm>> -> memref<8x128xi32, #tpu.memory_space<hbm>>
        tpu.wait_dma2 semaphore(%run_scoped3A : memref<!tpu.dma_semaphore, #tpu.memory_space<semaphore_mem>>) src(%dma_wait3A_81 : memref<8x128xi32, #tpu.memory_space<hbm>>) dst(%arg12 : memref<8x128xi32, #tpu.memory_space<vmem>>)
        tpu.yield
      }) : () -> ()
      "tpu.region"() ({
        %run_scoped3A = tpu.sem_alloc : memref<!tpu.dma_semaphore, #tpu.memory_space<semaphore_mem>>
        %dma_start3A = arith.constant 0 : i32
        %dma_start3A_76 = tpu.memref_slice %arg3[%add3A_70, %dma_start3A] : memref<2560x128xi32, #tpu.memory_space<hbm>> -> memref<8x128xi32, #tpu.memory_space<hbm>>
        %dma_start3A_77 = arith.constant 0 : i32
        %dma_start3A_78 = tpu.memref_slice %arg3[%add3A_70, %dma_start3A_77] : memref<2560x128xi32, #tpu.memory_space<hbm>> -> memref<8x128xi32, #tpu.memory_space<hbm>>
        tpu.enqueue_dma source(%dma_start3A_78 : memref<8x128xi32, #tpu.memory_space<hbm>>) target(%arg13 : memref<8x128xi32, #tpu.memory_space<vmem>>) target_semaphore(%run_scoped3A : memref<!tpu.dma_semaphore, #tpu.memory_space<semaphore_mem>>)
        %dma_wait3A = arith.constant 0 : i32
        %dma_wait3A_79 = tpu.memref_slice %arg3[%add3A_70, %dma_wait3A] : memref<2560x128xi32, #tpu.memory_space<hbm>> -> memref<8x128xi32, #tpu.memory_space<hbm>>
        %dma_wait3A_80 = arith.constant 0 : i32
        %dma_wait3A_81 = tpu.memref_slice %arg3[%add3A_70, %dma_wait3A_80] : memref<2560x128xi32, #tpu.memory_space<hbm>> -> memref<8x128xi32, #tpu.memory_space<hbm>>
        tpu.wait_dma2 semaphore(%run_scoped3A : memref<!tpu.dma_semaphore, #tpu.memory_space<semaphore_mem>>) src(%dma_wait3A_81 : memref<8x128xi32, #tpu.memory_space<hbm>>) dst(%arg13 : memref<8x128xi32, #tpu.memory_space<vmem>>)
        tpu.yield
      }) : () -> ()
      %scan3A_71 = arith.constant 0 : i32
      %scan3A_72 = arith.constant 8 : i32
      %scan3A_73 = arith.addi %scan3A_71, %scan3A_72 : i32
      %scan3A_74 = arith.constant 1 : i32
      scf.for %scan3A_76 = %scan3A_71 to %scan3A_73 step %scan3A_74  : i32 {
        %mul3A_77 = arith.constant 1 : i32
        %mul3A_78 = arith.muli %scan3A_76, %mul3A_77 : i32
        %add3A_79 = arith.constant 0 : i32
        %add3A_80 = arith.addi %add3A_79, %mul3A_78 : i32
        %add3A_81 = arith.addi %add3A_70, %add3A_80 : i32
        %lt3A_82 = arith.constant 2500 : i32
        %lt3A_83 = arith.cmpi slt, %add3A_81, %lt3A_82 : i32
        %convert_element_type3A_84 = arith.extui %lt3A_83 : i1 to i32
        %cond3A_85 = arith.constant 0 : i32
        %cond3A_86 = arith.cmpi ne, %convert_element_type3A_84, %cond3A_85 : i32
        scf.if %cond3A_86 {
          %dma_start3A = arith.constant 0 : i32
          %dma_start3A_87 = arith.constant 0 : i32
          %dma_start3A_88 = tpu.memref_slice %arg15[%dma_start3A, %dma_start3A_87] : memref<128x128xf32, #tpu.memory_space<vmem>> -> memref<64x128xf32, #tpu.memory_space<vmem>>
          %dma_start3A_89 = arith.constant 0 : i32
          %dma_start3A_90 = tpu.memref_slice %arg12[%add3A_80, %dma_start3A_89] : memref<8x128xi32, #tpu.memory_space<vmem>> -> memref<1x64xi32, #tpu.memory_space<vmem>>
          %dma_start3A_91 = tpu.memref_squeeze %dma_start3A_90 : memref<1x64xi32, #tpu.memory_space<vmem>> -> memref<64xi32, #tpu.memory_space<vmem>>
          %dma_start3A_92 = arith.constant 0 : i32
          %dma_start3A_93 = arith.constant 0 : i32
          %dma_start3A_94 = tpu.memref_slice %arg4[%dma_start3A_92, %dma_start3A_93] : memref<10000x128xf32, #tpu.memory_space<hbm>> -> memref<10000x128xf32, #tpu.memory_space<hbm>>
          tpu.enqueue_indirect_dma source(%dma_start3A_94 : memref<10000x128xf32, #tpu.memory_space<hbm>>) target(%dma_start3A_88 : memref<64x128xf32, #tpu.memory_space<vmem>>) offsets(%dma_start3A_91 : memref<64xi32, #tpu.memory_space<vmem>>) semaphore(%arg19 : memref<!tpu.dma_semaphore, #tpu.memory_space<semaphore_mem>>)
          %dma_start3A_95 = arith.constant 64 : i32
          %dma_start3A_96 = arith.constant 0 : i32
          %dma_start3A_97 = tpu.memref_slice %arg15[%dma_start3A_95, %dma_start3A_96] : memref<128x128xf32, #tpu.memory_space<vmem>> -> memref<64x128xf32, #tpu.memory_space<vmem>>
          %dma_start3A_98 = arith.constant 64 : i32
          %dma_start3A_99 = tpu.memref_slice %arg12[%add3A_80, %dma_start3A_98] : memref<8x128xi32, #tpu.memory_space<vmem>> -> memref<1x64xi32, #tpu.memory_space<vmem>>
          %dma_start3A_100 = tpu.memref_squeeze %dma_start3A_99 : memref<1x64xi32, #tpu.memory_space<vmem>> -> memref<64xi32, #tpu.memory_space<vmem>>
          %dma_start3A_101 = arith.constant 0 : i32
          %dma_start3A_102 = arith.constant 0 : i32
          %dma_start3A_103 = tpu.memref_slice %arg4[%dma_start3A_101, %dma_start3A_102] : memref<10000x128xf32, #tpu.memory_space<hbm>> -> memref<10000x128xf32, #tpu.memory_space<hbm>>
          tpu.enqueue_indirect_dma source(%dma_start3A_103 : memref<10000x128xf32, #tpu.memory_space<hbm>>) target(%dma_start3A_97 : memref<64x128xf32, #tpu.memory_space<vmem>>) offsets(%dma_start3A_100 : memref<64xi32, #tpu.memory_space<vmem>>) semaphore(%arg20 : memref<!tpu.dma_semaphore, #tpu.memory_space<semaphore_mem>>)
          %get3A = arith.index_cast %add3A_80 : i32 to index
          %get3A_104 = arith.constant 0 : index
          %get3A_105 = tpu.vector_load %arg12[%get3A, %get3A_104] {strides = array<i32>} : memref<8x128xi32, #tpu.memory_space<vmem>>, vector<16xi32>,
          %get3A_106 = arith.index_cast %add3A_80 : i32 to index
          %get3A_107 = arith.constant 0 : index
          %get3A_108 = tpu.vector_load %arg13[%get3A_106, %get3A_107] {strides = array<i32>} : memref<8x128xi32, #tpu.memory_space<vmem>>, vector<16xi32>,
          %gather3A = tpu.vector_load_idx %arg10[%get3A_105] : memref<10000xf32, #tpu.memory_space<vmem>>[vector<16xi32>], vector<16xf32>,
          %gather3A_109 = tpu.vector_load_idx %arg11[%get3A_108] : memref<10000xf32, #tpu.memory_space<vmem>>[vector<16xi32>], vector<16xf32>,
          %add3A_110 = arith.addf %gather3A, %gather3A_109 : vector<16xf32>
          %ge3A = arith.constant 0.000000e+00 : f32
          %ge3A_111 = vector.broadcast %ge3A : f32 to vector<16xf32>
          %ge3A_112 = arith.cmpf oge, %add3A_110, %ge3A_111 : vector<16xf32>
          %mul3A_113 = arith.constant 2.000000e-01 : f32
          %mul3A_114 = vector.broadcast %mul3A_113 : f32 to vector<16xf32>
          %mul3A_115 = arith.mulf %mul3A_114, %add3A_110 : vector<16xf32>
          %select_n3A = arith.select %ge3A_112, %add3A_110, %mul3A_115 : vector<16xi1>, vector<16xf32>
          %get3A_116 = arith.constant 0 : index
          %get3A_117 = tpu.vector_load %arg16[%get3A_116] {strides = array<i32>} : memref<16xf32, #tpu.memory_space<vmem>>, vector<16xf32>,
          %sub3A = arith.subf %select_n3A, %get3A_117 : vector<16xf32>
          %exp3A = math.exp %sub3A : vector<16xf32>
          %swap3A_118 = arith.constant 0 : index
          %swap3A_119 = tpu.vector_load %arg14[%swap3A_118] {strides = array<i32>} : memref<128xf32, #tpu.memory_space<vmem>>, vector<16xf32>,
          tpu.vector_store %arg14[%swap3A_118], %exp3A {strides = array<i32>} : memref<128xf32, #tpu.memory_space<vmem>>, vector<16xf32>,
          %get3A_120 = arith.index_cast %add3A_80 : i32 to index
          %get3A_121 = arith.constant 16 : index
          %get3A_122 = tpu.vector_load %arg12[%get3A_120, %get3A_121] {strides = array<i32>} : memref<8x128xi32, #tpu.memory_space<vmem>>, vector<16xi32>,
          %get3A_123 = arith.index_cast %add3A_80 : i32 to index
          %get3A_124 = arith.constant 16 : index
          %get3A_125 = tpu.vector_load %arg13[%get3A_123, %get3A_124] {strides = array<i32>} : memref<8x128xi32, #tpu.memory_space<vmem>>, vector<16xi32>,
          %gather3A_126 = tpu.vector_load_idx %arg10[%get3A_122] : memref<10000xf32, #tpu.memory_space<vmem>>[vector<16xi32>], vector<16xf32>,
          %gather3A_127 = tpu.vector_load_idx %arg11[%get3A_125] : memref<10000xf32, #tpu.memory_space<vmem>>[vector<16xi32>], vector<16xf32>,
          %add3A_128 = arith.addf %gather3A_126, %gather3A_127 : vector<16xf32>
          %ge3A_129 = arith.constant 0.000000e+00 : f32
          %ge3A_130 = vector.broadcast %ge3A_129 : f32 to vector<16xf32>
          %ge3A_131 = arith.cmpf oge, %add3A_128, %ge3A_130 : vector<16xf32>
          %mul3A_132 = arith.constant 2.000000e-01 : f32
          %mul3A_133 = vector.broadcast %mul3A_132 : f32 to vector<16xf32>
          %mul3A_134 = arith.mulf %mul3A_133, %add3A_128 : vector<16xf32>
          %select_n3A_135 = arith.select %ge3A_131, %add3A_128, %mul3A_134 : vector<16xi1>, vector<16xf32>
          %get3A_136 = arith.constant 0 : index
          %get3A_137 = tpu.vector_load %arg16[%get3A_136] {strides = array<i32>} : memref<16xf32, #tpu.memory_space<vmem>>, vector<16xf32>,
          %sub3A_138 = arith.subf %select_n3A_135, %get3A_137 : vector<16xf32>
          %exp3A_139 = math.exp %sub3A_138 : vector<16xf32>
          %swap3A_140 = arith.constant 16 : index
          %swap3A_141 = tpu.vector_load %arg14[%swap3A_140] {strides = array<i32>} : memref<128xf32, #tpu.memory_space<vmem>>, vector<16xf32>,
          tpu.vector_store %arg14[%swap3A_140], %exp3A_139 {strides = array<i32>} : memref<128xf32, #tpu.memory_space<vmem>>, vector<16xf32>,
          %get3A_142 = arith.index_cast %add3A_80 : i32 to index
          %get3A_143 = arith.constant 32 : index
          %get3A_144 = tpu.vector_load %arg12[%get3A_142, %get3A_143] {strides = array<i32>} : memref<8x128xi32, #tpu.memory_space<vmem>>, vector<16xi32>,
          %get3A_145 = arith.index_cast %add3A_80 : i32 to index
          %get3A_146 = arith.constant 32 : index
          %get3A_147 = tpu.vector_load %arg13[%get3A_145, %get3A_146] {strides = array<i32>} : memref<8x128xi32, #tpu.memory_space<vmem>>, vector<16xi32>,
          %gather3A_148 = tpu.vector_load_idx %arg10[%get3A_144] : memref<10000xf32, #tpu.memory_space<vmem>>[vector<16xi32>], vector<16xf32>,
          %gather3A_149 = tpu.vector_load_idx %arg11[%get3A_147] : memref<10000xf32, #tpu.memory_space<vmem>>[vector<16xi32>], vector<16xf32>,
          %add3A_150 = arith.addf %gather3A_148, %gather3A_149 : vector<16xf32>
          %ge3A_151 = arith.constant 0.000000e+00 : f32
          %ge3A_152 = vector.broadcast %ge3A_151 : f32 to vector<16xf32>
          %ge3A_153 = arith.cmpf oge, %add3A_150, %ge3A_152 : vector<16xf32>
          %mul3A_154 = arith.constant 2.000000e-01 : f32
          %mul3A_155 = vector.broadcast %mul3A_154 : f32 to vector<16xf32>
          %mul3A_156 = arith.mulf %mul3A_155, %add3A_150 : vector<16xf32>
          %select_n3A_157 = arith.select %ge3A_153, %add3A_150, %mul3A_156 : vector<16xi1>, vector<16xf32>
          %get3A_158 = arith.constant 0 : index
          %get3A_159 = tpu.vector_load %arg16[%get3A_158] {strides = array<i32>} : memref<16xf32, #tpu.memory_space<vmem>>, vector<16xf32>,
          %sub3A_160 = arith.subf %select_n3A_157, %get3A_159 : vector<16xf32>
          %exp3A_161 = math.exp %sub3A_160 : vector<16xf32>
          %swap3A_162 = arith.constant 32 : index
          %swap3A_163 = tpu.vector_load %arg14[%swap3A_162] {strides = array<i32>} : memref<128xf32, #tpu.memory_space<vmem>>, vector<16xf32>,
          tpu.vector_store %arg14[%swap3A_162], %exp3A_161 {strides = array<i32>} : memref<128xf32, #tpu.memory_space<vmem>>, vector<16xf32>,
          %get3A_164 = arith.index_cast %add3A_80 : i32 to index
          %get3A_165 = arith.constant 48 : index
          %get3A_166 = tpu.vector_load %arg12[%get3A_164, %get3A_165] {strides = array<i32>} : memref<8x128xi32, #tpu.memory_space<vmem>>, vector<16xi32>,
          %get3A_167 = arith.index_cast %add3A_80 : i32 to index
          %get3A_168 = arith.constant 48 : index
          %get3A_169 = tpu.vector_load %arg13[%get3A_167, %get3A_168] {strides = array<i32>} : memref<8x128xi32, #tpu.memory_space<vmem>>, vector<16xi32>,
          %gather3A_170 = tpu.vector_load_idx %arg10[%get3A_166] : memref<10000xf32, #tpu.memory_space<vmem>>[vector<16xi32>], vector<16xf32>,
          %gather3A_171 = tpu.vector_load_idx %arg11[%get3A_169] : memref<10000xf32, #tpu.memory_space<vmem>>[vector<16xi32>], vector<16xf32>,
          %add3A_172 = arith.addf %gather3A_170, %gather3A_171 : vector<16xf32>
          %ge3A_173 = arith.constant 0.000000e+00 : f32
          %ge3A_174 = vector.broadcast %ge3A_173 : f32 to vector<16xf32>
          %ge3A_175 = arith.cmpf oge, %add3A_172, %ge3A_174 : vector<16xf32>
          %mul3A_176 = arith.constant 2.000000e-01 : f32
          %mul3A_177 = vector.broadcast %mul3A_176 : f32 to vector<16xf32>
          %mul3A_178 = arith.mulf %mul3A_177, %add3A_172 : vector<16xf32>
          %select_n3A_179 = arith.select %ge3A_175, %add3A_172, %mul3A_178 : vector<16xi1>, vector<16xf32>
          %get3A_180 = arith.constant 0 : index
          %get3A_181 = tpu.vector_load %arg16[%get3A_180] {strides = array<i32>} : memref<16xf32, #tpu.memory_space<vmem>>, vector<16xf32>,
          %sub3A_182 = arith.subf %select_n3A_179, %get3A_181 : vector<16xf32>
          %exp3A_183 = math.exp %sub3A_182 : vector<16xf32>
          %swap3A_184 = arith.constant 48 : index
          %swap3A_185 = tpu.vector_load %arg14[%swap3A_184] {strides = array<i32>} : memref<128xf32, #tpu.memory_space<vmem>>, vector<16xf32>,
          tpu.vector_store %arg14[%swap3A_184], %exp3A_183 {strides = array<i32>} : memref<128xf32, #tpu.memory_space<vmem>>, vector<16xf32>,
          %get3A_186 = arith.index_cast %add3A_80 : i32 to index
          %get3A_187 = arith.constant 64 : index
          %get3A_188 = tpu.vector_load %arg12[%get3A_186, %get3A_187] {strides = array<i32>} : memref<8x128xi32, #tpu.memory_space<vmem>>, vector<16xi32>,
          %get3A_189 = arith.index_cast %add3A_80 : i32 to index
          %get3A_190 = arith.constant 64 : index
          %get3A_191 = tpu.vector_load %arg13[%get3A_189, %get3A_190] {strides = array<i32>} : memref<8x128xi32, #tpu.memory_space<vmem>>, vector<16xi32>,
          %gather3A_192 = tpu.vector_load_idx %arg10[%get3A_188] : memref<10000xf32, #tpu.memory_space<vmem>>[vector<16xi32>], vector<16xf32>,
          %gather3A_193 = tpu.vector_load_idx %arg11[%get3A_191] : memref<10000xf32, #tpu.memory_space<vmem>>[vector<16xi32>], vector<16xf32>,
          %add3A_194 = arith.addf %gather3A_192, %gather3A_193 : vector<16xf32>
          %ge3A_195 = arith.constant 0.000000e+00 : f32
          %ge3A_196 = vector.broadcast %ge3A_195 : f32 to vector<16xf32>
          %ge3A_197 = arith.cmpf oge, %add3A_194, %ge3A_196 : vector<16xf32>
          %mul3A_198 = arith.constant 2.000000e-01 : f32
          %mul3A_199 = vector.broadcast %mul3A_198 : f32 to vector<16xf32>
          %mul3A_200 = arith.mulf %mul3A_199, %add3A_194 : vector<16xf32>
          %select_n3A_201 = arith.select %ge3A_197, %add3A_194, %mul3A_200 : vector<16xi1>, vector<16xf32>
          %get3A_202 = arith.constant 0 : index
          %get3A_203 = tpu.vector_load %arg16[%get3A_202] {strides = array<i32>} : memref<16xf32, #tpu.memory_space<vmem>>, vector<16xf32>,
          %sub3A_204 = arith.subf %select_n3A_201, %get3A_203 : vector<16xf32>
          %exp3A_205 = math.exp %sub3A_204 : vector<16xf32>
          %swap3A_206 = arith.constant 64 : index
          %swap3A_207 = tpu.vector_load %arg14[%swap3A_206] {strides = array<i32>} : memref<128xf32, #tpu.memory_space<vmem>>, vector<16xf32>,
          tpu.vector_store %arg14[%swap3A_206], %exp3A_205 {strides = array<i32>} : memref<128xf32, #tpu.memory_space<vmem>>, vector<16xf32>,
          %get3A_208 = arith.index_cast %add3A_80 : i32 to index
          %get3A_209 = arith.constant 80 : index
          %get3A_210 = tpu.vector_load %arg12[%get3A_208, %get3A_209] {strides = array<i32>} : memref<8x128xi32, #tpu.memory_space<vmem>>, vector<16xi32>,
          %get3A_211 = arith.index_cast %add3A_80 : i32 to index
          %get3A_212 = arith.constant 80 : index
          %get3A_213 = tpu.vector_load %arg13[%get3A_211, %get3A_212] {strides = array<i32>} : memref<8x128xi32, #tpu.memory_space<vmem>>, vector<16xi32>,
          %gather3A_214 = tpu.vector_load_idx %arg10[%get3A_210] : memref<10000xf32, #tpu.memory_space<vmem>>[vector<16xi32>], vector<16xf32>,
          %gather3A_215 = tpu.vector_load_idx %arg11[%get3A_213] : memref<10000xf32, #tpu.memory_space<vmem>>[vector<16xi32>], vector<16xf32>,
          %add3A_216 = arith.addf %gather3A_214, %gather3A_215 : vector<16xf32>
          %ge3A_217 = arith.constant 0.000000e+00 : f32
          %ge3A_218 = vector.broadcast %ge3A_217 : f32 to vector<16xf32>
          %ge3A_219 = arith.cmpf oge, %add3A_216, %ge3A_218 : vector<16xf32>
          %mul3A_220 = arith.constant 2.000000e-01 : f32
          %mul3A_221 = vector.broadcast %mul3A_220 : f32 to vector<16xf32>
          %mul3A_222 = arith.mulf %mul3A_221, %add3A_216 : vector<16xf32>
          %select_n3A_223 = arith.select %ge3A_219, %add3A_216, %mul3A_222 : vector<16xi1>, vector<16xf32>
          %get3A_224 = arith.constant 0 : index
          %get3A_225 = tpu.vector_load %arg16[%get3A_224] {strides = array<i32>} : memref<16xf32, #tpu.memory_space<vmem>>, vector<16xf32>,
          %sub3A_226 = arith.subf %select_n3A_223, %get3A_225 : vector<16xf32>
          %exp3A_227 = math.exp %sub3A_226 : vector<16xf32>
          %swap3A_228 = arith.constant 80 : index
          %swap3A_229 = tpu.vector_load %arg14[%swap3A_228] {strides = array<i32>} : memref<128xf32, #tpu.memory_space<vmem>>, vector<16xf32>,
          tpu.vector_store %arg14[%swap3A_228], %exp3A_227 {strides = array<i32>} : memref<128xf32, #tpu.memory_space<vmem>>, vector<16xf32>,
          %get3A_230 = arith.index_cast %add3A_80 : i32 to index
          %get3A_231 = arith.constant 96 : index
          %get3A_232 = tpu.vector_load %arg12[%get3A_230, %get3A_231] {strides = array<i32>} : memref<8x128xi32, #tpu.memory_space<vmem>>, vector<16xi32>,
          %get3A_233 = arith.index_cast %add3A_80 : i32 to index
          %get3A_234 = arith.constant 96 : index
          %get3A_235 = tpu.vector_load %arg13[%get3A_233, %get3A_234] {strides = array<i32>} : memref<8x128xi32, #tpu.memory_space<vmem>>, vector<16xi32>,
          %gather3A_236 = tpu.vector_load_idx %arg10[%get3A_232] : memref<10000xf32, #tpu.memory_space<vmem>>[vector<16xi32>], vector<16xf32>,
          %gather3A_237 = tpu.vector_load_idx %arg11[%get3A_235] : memref<10000xf32, #tpu.memory_space<vmem>>[vector<16xi32>], vector<16xf32>,
          %add3A_238 = arith.addf %gather3A_236, %gather3A_237 : vector<16xf32>
          %ge3A_239 = arith.constant 0.000000e+00 : f32
          %ge3A_240 = vector.broadcast %ge3A_239 : f32 to vector<16xf32>
          %ge3A_241 = arith.cmpf oge, %add3A_238, %ge3A_240 : vector<16xf32>
          %mul3A_242 = arith.constant 2.000000e-01 : f32
          %mul3A_243 = vector.broadcast %mul3A_242 : f32 to vector<16xf32>
          %mul3A_244 = arith.mulf %mul3A_243, %add3A_238 : vector<16xf32>
          %select_n3A_245 = arith.select %ge3A_241, %add3A_238, %mul3A_244 : vector<16xi1>, vector<16xf32>
          %get3A_246 = arith.constant 0 : index
          %get3A_247 = tpu.vector_load %arg16[%get3A_246] {strides = array<i32>} : memref<16xf32, #tpu.memory_space<vmem>>, vector<16xf32>,
          %sub3A_248 = arith.subf %select_n3A_245, %get3A_247 : vector<16xf32>
          %exp3A_249 = math.exp %sub3A_248 : vector<16xf32>
          %swap3A_250 = arith.constant 96 : index
          %swap3A_251 = tpu.vector_load %arg14[%swap3A_250] {strides = array<i32>} : memref<128xf32, #tpu.memory_space<vmem>>, vector<16xf32>,
          tpu.vector_store %arg14[%swap3A_250], %exp3A_249 {strides = array<i32>} : memref<128xf32, #tpu.memory_space<vmem>>, vector<16xf32>,
          %get3A_252 = arith.index_cast %add3A_80 : i32 to index
          %get3A_253 = arith.constant 112 : index
          %get3A_254 = tpu.vector_load %arg12[%get3A_252, %get3A_253] {strides = array<i32>} : memref<8x128xi32, #tpu.memory_space<vmem>>, vector<16xi32>,
          %get3A_255 = arith.index_cast %add3A_80 : i32 to index
          %get3A_256 = arith.constant 112 : index
          %get3A_257 = tpu.vector_load %arg13[%get3A_255, %get3A_256] {strides = array<i32>} : memref<8x128xi32, #tpu.memory_space<vmem>>, vector<16xi32>,
          %gather3A_258 = tpu.vector_load_idx %arg10[%get3A_254] : memref<10000xf32, #tpu.memory_space<vmem>>[vector<16xi32>], vector<16xf32>,
          %gather3A_259 = tpu.vector_load_idx %arg11[%get3A_257] : memref<10000xf32, #tpu.memory_space<vmem>>[vector<16xi32>], vector<16xf32>,
          %add3A_260 = arith.addf %gather3A_258, %gather3A_259 : vector<16xf32>
          %ge3A_261 = arith.constant 0.000000e+00 : f32
          %ge3A_262 = vector.broadcast %ge3A_261 : f32 to vector<16xf32>
          %ge3A_263 = arith.cmpf oge, %add3A_260, %ge3A_262 : vector<16xf32>
          %mul3A_264 = arith.constant 2.000000e-01 : f32
          %mul3A_265 = vector.broadcast %mul3A_264 : f32 to vector<16xf32>
          %mul3A_266 = arith.mulf %mul3A_265, %add3A_260 : vector<16xf32>
          %select_n3A_267 = arith.select %ge3A_263, %add3A_260, %mul3A_266 : vector<16xi1>, vector<16xf32>
          %get3A_268 = arith.constant 0 : index
          %get3A_269 = tpu.vector_load %arg16[%get3A_268] {strides = array<i32>} : memref<16xf32, #tpu.memory_space<vmem>>, vector<16xf32>,
          %sub3A_270 = arith.subf %select_n3A_267, %get3A_269 : vector<16xf32>
          %exp3A_271 = math.exp %sub3A_270 : vector<16xf32>
          %swap3A_272 = arith.constant 112 : index
          %swap3A_273 = tpu.vector_load %arg14[%swap3A_272] {strides = array<i32>} : memref<128xf32, #tpu.memory_space<vmem>>, vector<16xf32>,
          tpu.vector_store %arg14[%swap3A_272], %exp3A_271 {strides = array<i32>} : memref<128xf32, #tpu.memory_space<vmem>>, vector<16xf32>,
          "tpu.region"() ({
            %run_scoped3A = tpu.sem_alloc : memref<!tpu.dma_semaphore, #tpu.memory_space<semaphore_mem>>
            %dma_start3A_301 = arith.constant 0 : i32
            %dma_start3A_302 = tpu.memref_slice %arg13[%add3A_80, %dma_start3A_301] : memref<8x128xi32, #tpu.memory_space<vmem>> -> memref<1x128xi32, #tpu.memory_space<vmem>>
            %dma_start3A_303 = tpu.memref_squeeze %dma_start3A_302 : memref<1x128xi32, #tpu.memory_space<vmem>> -> memref<128xi32, #tpu.memory_space<vmem>>
            %dma_start3A_304 = arith.constant 0 : i32
            %dma_start3A_305 = tpu.memref_slice %arg17[%dma_start3A_304] : memref<10240xf32, #tpu.memory_space<vmem_shared>> -> memref<10240xf32, #tpu.memory_space<vmem_shared>>
            tpu.enqueue_indirect_dma source(%arg14 : memref<128xf32, #tpu.memory_space<vmem>>) target(%dma_start3A_305 : memref<10240xf32, #tpu.memory_space<vmem_shared>>) offsets(%dma_start3A_303 : memref<128xi32, #tpu.memory_space<vmem>>) semaphore(%run_scoped3A : memref<!tpu.dma_semaphore, #tpu.memory_space<semaphore_mem>>) {add = true}
            %dma_wait3A_306 = arith.constant 0 : i32
            %dma_wait3A_307 = tpu.memref_slice %arg13[%add3A_80, %dma_wait3A_306] : memref<8x128xi32, #tpu.memory_space<vmem>> -> memref<1x128xi32, #tpu.memory_space<vmem>>
            %dma_wait3A_308 = tpu.memref_squeeze %dma_wait3A_307 : memref<1x128xi32, #tpu.memory_space<vmem>> -> memref<128xi32, #tpu.memory_space<vmem>>
            %dma_wait3A_309 = arith.constant 0 : i32
            %dma_wait3A_310 = tpu.memref_slice %arg17[%dma_wait3A_309] : memref<10240xf32, #tpu.memory_space<vmem_shared>> -> memref<10240xf32, #tpu.memory_space<vmem_shared>>
            tpu.wait_indirect_dma semaphore(%run_scoped3A : memref<!tpu.dma_semaphore, #tpu.memory_space<semaphore_mem>>) src(%arg14 : memref<128xf32, #tpu.memory_space<vmem>>) dst(%dma_wait3A_310 : memref<10240xf32, #tpu.memory_space<vmem_shared>>)
            tpu.yield
          }) : () -> ()
          %dma_wait3A = arith.constant 0 : i32
          %dma_wait3A_274 = arith.constant 0 : i32
          %dma_wait3A_275 = tpu.memref_slice %arg15[%dma_wait3A, %dma_wait3A_274] : memref<128x128xf32, #tpu.memory_space<vmem>> -> memref<64x128xf32, #tpu.memory_space<vmem>>
          %dma_wait3A_276 = arith.constant 0 : i32
          %dma_wait3A_277 = tpu.memref_slice %arg12[%add3A_80, %dma_wait3A_276] : memref<8x128xi32, #tpu.memory_space<vmem>> -> memref<1x64xi32, #tpu.memory_space<vmem>>
          %dma_wait3A_278 = tpu.memref_squeeze %dma_wait3A_277 : memref<1x64xi32, #tpu.memory_space<vmem>> -> memref<64xi32, #tpu.memory_space<vmem>>
          %dma_wait3A_279 = arith.constant 0 : i32
          %dma_wait3A_280 = arith.constant 0 : i32
          %dma_wait3A_281 = tpu.memref_slice %arg4[%dma_wait3A_279, %dma_wait3A_280] : memref<10000x128xf32, #tpu.memory_space<hbm>> -> memref<10000x128xf32, #tpu.memory_space<hbm>>
          tpu.wait_indirect_dma semaphore(%arg19 : memref<!tpu.dma_semaphore, #tpu.memory_space<semaphore_mem>>) src(%dma_wait3A_281 : memref<10000x128xf32, #tpu.memory_space<hbm>>) dst(%dma_wait3A_275 : memref<64x128xf32, #tpu.memory_space<vmem>>)
          %scan3A_282 = arith.constant 0 : i32
          %scan3A_283 = arith.constant 64 : i32
          %scan3A_284 = arith.addi %scan3A_282, %scan3A_283 : i32
          %scan3A_285 = arith.constant 1 : i32
          scf.for %scan3A_301 = %scan3A_282 to %scan3A_284 step %scan3A_285  : i32 {
            %mul3A_302 = arith.constant 1 : i32
            %mul3A_303 = arith.muli %scan3A_301, %mul3A_302 : i32
            %add3A_304 = arith.constant 0 : i32
            %add3A_305 = arith.addi %add3A_304, %mul3A_303 : i32
            %broadcast_in_dim3A_306 = vector.broadcast %add3A_305 : i32 to vector<16xi32>
            %gather3A_307 = tpu.vector_load_idx %arg14[%broadcast_in_dim3A_306] : memref<128xf32, #tpu.memory_space<vmem>>[vector<16xi32>], vector<16xf32>,
            %get3A_308 = arith.index_cast %add3A_305 : i32 to index
            %get3A_309 = arith.constant 0 : index
            %get3A_310 = tpu.vector_load %arg15[%get3A_308, %get3A_309] {strides = array<i32>} : memref<128x128xf32, #tpu.memory_space<vmem>>, vector<16xf32>,
            %mul3A_311 = arith.mulf %get3A_310, %gather3A_307 : vector<16xf32>
            %swap3A_312 = arith.index_cast %add3A_305 : i32 to index
            %swap3A_313 = arith.constant 0 : index
            %swap3A_314 = tpu.vector_load %arg15[%swap3A_312, %swap3A_313] {strides = array<i32>} : memref<128x128xf32, #tpu.memory_space<vmem>>, vector<16xf32>,
            tpu.vector_store %arg15[%swap3A_312, %swap3A_313], %mul3A_311 {strides = array<i32>} : memref<128x128xf32, #tpu.memory_space<vmem>>, vector<16xf32>,
            %get3A_315 = arith.index_cast %add3A_305 : i32 to index
            %get3A_316 = arith.constant 16 : index
            %get3A_317 = tpu.vector_load %arg15[%get3A_315, %get3A_316] {strides = array<i32>} : memref<128x128xf32, #tpu.memory_space<vmem>>, vector<16xf32>,
            %mul3A_318 = arith.mulf %get3A_317, %gather3A_307 : vector<16xf32>
            %swap3A_319 = arith.index_cast %add3A_305 : i32 to index
            %swap3A_320 = arith.constant 16 : index
            %swap3A_321 = tpu.vector_load %arg15[%swap3A_319, %swap3A_320] {strides = array<i32>} : memref<128x128xf32, #tpu.memory_space<vmem>>, vector<16xf32>,
            tpu.vector_store %arg15[%swap3A_319, %swap3A_320], %mul3A_318 {strides = array<i32>} : memref<128x128xf32, #tpu.memory_space<vmem>>, vector<16xf32>,
            %get3A_322 = arith.index_cast %add3A_305 : i32 to index
            %get3A_323 = arith.constant 32 : index
            %get3A_324 = tpu.vector_load %arg15[%get3A_322, %get3A_323] {strides = array<i32>} : memref<128x128xf32, #tpu.memory_space<vmem>>, vector<16xf32>,
            %mul3A_325 = arith.mulf %get3A_324, %gather3A_307 : vector<16xf32>
            %swap3A_326 = arith.index_cast %add3A_305 : i32 to index
            %swap3A_327 = arith.constant 32 : index
            %swap3A_328 = tpu.vector_load %arg15[%swap3A_326, %swap3A_327] {strides = array<i32>} : memref<128x128xf32, #tpu.memory_space<vmem>>, vector<16xf32>,
            tpu.vector_store %arg15[%swap3A_326, %swap3A_327], %mul3A_325 {strides = array<i32>} : memref<128x128xf32, #tpu.memory_space<vmem>>, vector<16xf32>,
            %get3A_329 = arith.index_cast %add3A_305 : i32 to index
            %get3A_330 = arith.constant 48 : index
            %get3A_331 = tpu.vector_load %arg15[%get3A_329, %get3A_330] {strides = array<i32>} : memref<128x128xf32, #tpu.memory_space<vmem>>, vector<16xf32>,
            %mul3A_332 = arith.mulf %get3A_331, %gather3A_307 : vector<16xf32>
            %swap3A_333 = arith.index_cast %add3A_305 : i32 to index
            %swap3A_334 = arith.constant 48 : index
            %swap3A_335 = tpu.vector_load %arg15[%swap3A_333, %swap3A_334] {strides = array<i32>} : memref<128x128xf32, #tpu.memory_space<vmem>>, vector<16xf32>,
            tpu.vector_store %arg15[%swap3A_333, %swap3A_334], %mul3A_332 {strides = array<i32>} : memref<128x128xf32, #tpu.memory_space<vmem>>, vector<16xf32>,
            %get3A_336 = arith.index_cast %add3A_305 : i32 to index
            %get3A_337 = arith.constant 64 : index
            %get3A_338 = tpu.vector_load %arg15[%get3A_336, %get3A_337] {strides = array<i32>} : memref<128x128xf32, #tpu.memory_space<vmem>>, vector<16xf32>,
            %mul3A_339 = arith.mulf %get3A_338, %gather3A_307 : vector<16xf32>
            %swap3A_340 = arith.index_cast %add3A_305 : i32 to index
            %swap3A_341 = arith.constant 64 : index
            %swap3A_342 = tpu.vector_load %arg15[%swap3A_340, %swap3A_341] {strides = array<i32>} : memref<128x128xf32, #tpu.memory_space<vmem>>, vector<16xf32>,
            tpu.vector_store %arg15[%swap3A_340, %swap3A_341], %mul3A_339 {strides = array<i32>} : memref<128x128xf32, #tpu.memory_space<vmem>>, vector<16xf32>,
            %get3A_343 = arith.index_cast %add3A_305 : i32 to index
            %get3A_344 = arith.constant 80 : index
            %get3A_345 = tpu.vector_load %arg15[%get3A_343, %get3A_344] {strides = array<i32>} : memref<128x128xf32, #tpu.memory_space<vmem>>, vector<16xf32>,
            %mul3A_346 = arith.mulf %get3A_345, %gather3A_307 : vector<16xf32>
            %swap3A_347 = arith.index_cast %add3A_305 : i32 to index
            %swap3A_348 = arith.constant 80 : index
            %swap3A_349 = tpu.vector_load %arg15[%swap3A_347, %swap3A_348] {strides = array<i32>} : memref<128x128xf32, #tpu.memory_space<vmem>>, vector<16xf32>,
            tpu.vector_store %arg15[%swap3A_347, %swap3A_348], %mul3A_346 {strides = array<i32>} : memref<128x128xf32, #tpu.memory_space<vmem>>, vector<16xf32>,
            %get3A_350 = arith.index_cast %add3A_305 : i32 to index
            %get3A_351 = arith.constant 96 : index
            %get3A_352 = tpu.vector_load %arg15[%get3A_350, %get3A_351] {strides = array<i32>} : memref<128x128xf32, #tpu.memory_space<vmem>>, vector<16xf32>,
            %mul3A_353 = arith.mulf %get3A_352, %gather3A_307 : vector<16xf32>
            %swap3A_354 = arith.index_cast %add3A_305 : i32 to index
            %swap3A_355 = arith.constant 96 : index
            %swap3A_356 = tpu.vector_load %arg15[%swap3A_354, %swap3A_355] {strides = array<i32>} : memref<128x128xf32, #tpu.memory_space<vmem>>, vector<16xf32>,
            tpu.vector_store %arg15[%swap3A_354, %swap3A_355], %mul3A_353 {strides = array<i32>} : memref<128x128xf32, #tpu.memory_space<vmem>>, vector<16xf32>,
            %get3A_357 = arith.index_cast %add3A_305 : i32 to index
            %get3A_358 = arith.constant 112 : index
            %get3A_359 = tpu.vector_load %arg15[%get3A_357, %get3A_358] {strides = array<i32>} : memref<128x128xf32, #tpu.memory_space<vmem>>, vector<16xf32>,
            %mul3A_360 = arith.mulf %get3A_359, %gather3A_307 : vector<16xf32>
            %swap3A_361 = arith.index_cast %add3A_305 : i32 to index
            %swap3A_362 = arith.constant 112 : index
            %swap3A_363 = tpu.vector_load %arg15[%swap3A_361, %swap3A_362] {strides = array<i32>} : memref<128x128xf32, #tpu.memory_space<vmem>>, vector<16xf32>,
            tpu.vector_store %arg15[%swap3A_361, %swap3A_362], %mul3A_360 {strides = array<i32>} : memref<128x128xf32, #tpu.memory_space<vmem>>, vector<16xf32>,
          }
          %scan3A_286 = arith.constant 64 : i32
          %dma_wait3A_287 = arith.constant 64 : i32
          %dma_wait3A_288 = arith.constant 0 : i32
          %dma_wait3A_289 = tpu.memref_slice %arg15[%dma_wait3A_287, %dma_wait3A_288] : memref<128x128xf32, #tpu.memory_space<vmem>> -> memref<64x128xf32, #tpu.memory_space<vmem>>
          %dma_wait3A_290 = arith.constant 64 : i32
          %dma_wait3A_291 = tpu.memref_slice %arg12[%add3A_80, %dma_wait3A_290] : memref<8x128xi32, #tpu.memory_space<vmem>> -> memref<1x64xi32, #tpu.memory_space<vmem>>
          %dma_wait3A_292 = tpu.memref_squeeze %dma_wait3A_291 : memref<1x64xi32, #tpu.memory_space<vmem>> -> memref<64xi32, #tpu.memory_space<vmem>>
          %dma_wait3A_293 = arith.constant 0 : i32
          %dma_wait3A_294 = arith.constant 0 : i32
          %dma_wait3A_295 = tpu.memref_slice %arg4[%dma_wait3A_293, %dma_wait3A_294] : memref<10000x128xf32, #tpu.memory_space<hbm>> -> memref<10000x128xf32, #tpu.memory_space<hbm>>
          tpu.wait_indirect_dma semaphore(%arg20 : memref<!tpu.dma_semaphore, #tpu.memory_space<semaphore_mem>>) src(%dma_wait3A_295 : memref<10000x128xf32, #tpu.memory_space<hbm>>) dst(%dma_wait3A_289 : memref<64x128xf32, #tpu.memory_space<vmem>>)
          %scan3A_296 = arith.constant 0 : i32
          %scan3A_297 = arith.constant 64 : i32
          %scan3A_298 = arith.addi %scan3A_296, %scan3A_297 : i32
          %scan3A_299 = arith.constant 1 : i32
          scf.for %scan3A_301 = %scan3A_296 to %scan3A_298 step %scan3A_299  : i32 {
            %mul3A_302 = arith.constant 1 : i32
            %mul3A_303 = arith.muli %scan3A_301, %mul3A_302 : i32
            %add3A_304 = arith.constant 64 : i32
            %add3A_305 = arith.addi %add3A_304, %mul3A_303 : i32
            %broadcast_in_dim3A_306 = vector.broadcast %add3A_305 : i32 to vector<16xi32>
            %gather3A_307 = tpu.vector_load_idx %arg14[%broadcast_in_dim3A_306] : memref<128xf32, #tpu.memory_space<vmem>>[vector<16xi32>], vector<16xf32>,
            %get3A_308 = arith.index_cast %add3A_305 : i32 to index
            %get3A_309 = arith.constant 0 : index
            %get3A_310 = tpu.vector_load %arg15[%get3A_308, %get3A_309] {strides = array<i32>} : memref<128x128xf32, #tpu.memory_space<vmem>>, vector<16xf32>,
            %mul3A_311 = arith.mulf %get3A_310, %gather3A_307 : vector<16xf32>
            %swap3A_312 = arith.index_cast %add3A_305 : i32 to index
            %swap3A_313 = arith.constant 0 : index
            %swap3A_314 = tpu.vector_load %arg15[%swap3A_312, %swap3A_313] {strides = array<i32>} : memref<128x128xf32, #tpu.memory_space<vmem>>, vector<16xf32>,
            tpu.vector_store %arg15[%swap3A_312, %swap3A_313], %mul3A_311 {strides = array<i32>} : memref<128x128xf32, #tpu.memory_space<vmem>>, vector<16xf32>,
            %get3A_315 = arith.index_cast %add3A_305 : i32 to index
            %get3A_316 = arith.constant 16 : index
            %get3A_317 = tpu.vector_load %arg15[%get3A_315, %get3A_316] {strides = array<i32>} : memref<128x128xf32, #tpu.memory_space<vmem>>, vector<16xf32>,
            %mul3A_318 = arith.mulf %get3A_317, %gather3A_307 : vector<16xf32>
            %swap3A_319 = arith.index_cast %add3A_305 : i32 to index
            %swap3A_320 = arith.constant 16 : index
            %swap3A_321 = tpu.vector_load %arg15[%swap3A_319, %swap3A_320] {strides = array<i32>} : memref<128x128xf32, #tpu.memory_space<vmem>>, vector<16xf32>,
            tpu.vector_store %arg15[%swap3A_319, %swap3A_320], %mul3A_318 {strides = array<i32>} : memref<128x128xf32, #tpu.memory_space<vmem>>, vector<16xf32>,
            %get3A_322 = arith.index_cast %add3A_305 : i32 to index
            %get3A_323 = arith.constant 32 : index
            %get3A_324 = tpu.vector_load %arg15[%get3A_322, %get3A_323] {strides = array<i32>} : memref<128x128xf32, #tpu.memory_space<vmem>>, vector<16xf32>,
            %mul3A_325 = arith.mulf %get3A_324, %gather3A_307 : vector<16xf32>
            %swap3A_326 = arith.index_cast %add3A_305 : i32 to index
            %swap3A_327 = arith.constant 32 : index
            %swap3A_328 = tpu.vector_load %arg15[%swap3A_326, %swap3A_327] {strides = array<i32>} : memref<128x128xf32, #tpu.memory_space<vmem>>, vector<16xf32>,
            tpu.vector_store %arg15[%swap3A_326, %swap3A_327], %mul3A_325 {strides = array<i32>} : memref<128x128xf32, #tpu.memory_space<vmem>>, vector<16xf32>,
            %get3A_329 = arith.index_cast %add3A_305 : i32 to index
            %get3A_330 = arith.constant 48 : index
            %get3A_331 = tpu.vector_load %arg15[%get3A_329, %get3A_330] {strides = array<i32>} : memref<128x128xf32, #tpu.memory_space<vmem>>, vector<16xf32>,
            %mul3A_332 = arith.mulf %get3A_331, %gather3A_307 : vector<16xf32>
            %swap3A_333 = arith.index_cast %add3A_305 : i32 to index
            %swap3A_334 = arith.constant 48 : index
            %swap3A_335 = tpu.vector_load %arg15[%swap3A_333, %swap3A_334] {strides = array<i32>} : memref<128x128xf32, #tpu.memory_space<vmem>>, vector<16xf32>,
            tpu.vector_store %arg15[%swap3A_333, %swap3A_334], %mul3A_332 {strides = array<i32>} : memref<128x128xf32, #tpu.memory_space<vmem>>, vector<16xf32>,
            %get3A_336 = arith.index_cast %add3A_305 : i32 to index
            %get3A_337 = arith.constant 64 : index
            %get3A_338 = tpu.vector_load %arg15[%get3A_336, %get3A_337] {strides = array<i32>} : memref<128x128xf32, #tpu.memory_space<vmem>>, vector<16xf32>,
            %mul3A_339 = arith.mulf %get3A_338, %gather3A_307 : vector<16xf32>
            %swap3A_340 = arith.index_cast %add3A_305 : i32 to index
            %swap3A_341 = arith.constant 64 : index
            %swap3A_342 = tpu.vector_load %arg15[%swap3A_340, %swap3A_341] {strides = array<i32>} : memref<128x128xf32, #tpu.memory_space<vmem>>, vector<16xf32>,
            tpu.vector_store %arg15[%swap3A_340, %swap3A_341], %mul3A_339 {strides = array<i32>} : memref<128x128xf32, #tpu.memory_space<vmem>>, vector<16xf32>,
            %get3A_343 = arith.index_cast %add3A_305 : i32 to index
            %get3A_344 = arith.constant 80 : index
            %get3A_345 = tpu.vector_load %arg15[%get3A_343, %get3A_344] {strides = array<i32>} : memref<128x128xf32, #tpu.memory_space<vmem>>, vector<16xf32>,
            %mul3A_346 = arith.mulf %get3A_345, %gather3A_307 : vector<16xf32>
            %swap3A_347 = arith.index_cast %add3A_305 : i32 to index
            %swap3A_348 = arith.constant 80 : index
            %swap3A_349 = tpu.vector_load %arg15[%swap3A_347, %swap3A_348] {strides = array<i32>} : memref<128x128xf32, #tpu.memory_space<vmem>>, vector<16xf32>,
            tpu.vector_store %arg15[%swap3A_347, %swap3A_348], %mul3A_346 {strides = array<i32>} : memref<128x128xf32, #tpu.memory_space<vmem>>, vector<16xf32>,
            %get3A_350 = arith.index_cast %add3A_305 : i32 to index
            %get3A_351 = arith.constant 96 : index
            %get3A_352 = tpu.vector_load %arg15[%get3A_350, %get3A_351] {strides = array<i32>} : memref<128x128xf32, #tpu.memory_space<vmem>>, vector<16xf32>,
            %mul3A_353 = arith.mulf %get3A_352, %gather3A_307 : vector<16xf32>
            %swap3A_354 = arith.index_cast %add3A_305 : i32 to index
            %swap3A_355 = arith.constant 96 : index
            %swap3A_356 = tpu.vector_load %arg15[%swap3A_354, %swap3A_355] {strides = array<i32>} : memref<128x128xf32, #tpu.memory_space<vmem>>, vector<16xf32>,
            tpu.vector_store %arg15[%swap3A_354, %swap3A_355], %mul3A_353 {strides = array<i32>} : memref<128x128xf32, #tpu.memory_space<vmem>>, vector<16xf32>,
            %get3A_357 = arith.index_cast %add3A_305 : i32 to index
            %get3A_358 = arith.constant 112 : index
            %get3A_359 = tpu.vector_load %arg15[%get3A_357, %get3A_358] {strides = array<i32>} : memref<128x128xf32, #tpu.memory_space<vmem>>, vector<16xf32>,
            %mul3A_360 = arith.mulf %get3A_359, %gather3A_307 : vector<16xf32>
            %swap3A_361 = arith.index_cast %add3A_305 : i32 to index
            %swap3A_362 = arith.constant 112 : index
            %swap3A_363 = tpu.vector_load %arg15[%swap3A_361, %swap3A_362] {strides = array<i32>} : memref<128x128xf32, #tpu.memory_space<vmem>>, vector<16xf32>,
            tpu.vector_store %arg15[%swap3A_361, %swap3A_362], %mul3A_360 {strides = array<i32>} : memref<128x128xf32, #tpu.memory_space<vmem>>, vector<16xf32>,
          }
          %scan3A_300 = arith.constant 64 : i32
          "tpu.region"() ({
            %run_scoped3A = tpu.sem_alloc : memref<!tpu.dma_semaphore, #tpu.memory_space<semaphore_mem>>
            %dma_start3A_301 = arith.constant 0 : i32
            %dma_start3A_302 = tpu.memref_slice %arg13[%add3A_80, %dma_start3A_301] : memref<8x128xi32, #tpu.memory_space<vmem>> -> memref<1x128xi32, #tpu.memory_space<vmem>>
            %dma_start3A_303 = tpu.memref_squeeze %dma_start3A_302 : memref<1x128xi32, #tpu.memory_space<vmem>> -> memref<128xi32, #tpu.memory_space<vmem>>
            %dma_start3A_304 = arith.constant 0 : i32
            %dma_start3A_305 = arith.constant 0 : i32
            %dma_start3A_306 = tpu.memref_slice %arg18[%dma_start3A_304, %dma_start3A_305] : memref<10000x128xf32, #tpu.memory_space<vmem_shared>> -> memref<10000x128xf32, #tpu.memory_space<vmem_shared>>
            tpu.enqueue_indirect_dma source(%arg15 : memref<128x128xf32, #tpu.memory_space<vmem>>) target(%dma_start3A_306 : memref<10000x128xf32, #tpu.memory_space<vmem_shared>>) offsets(%dma_start3A_303 : memref<128xi32, #tpu.memory_space<vmem>>) semaphore(%run_scoped3A : memref<!tpu.dma_semaphore, #tpu.memory_space<semaphore_mem>>) {add = true}
            %dma_wait3A_307 = arith.constant 0 : i32
            %dma_wait3A_308 = tpu.memref_slice %arg13[%add3A_80, %dma_wait3A_307] : memref<8x128xi32, #tpu.memory_space<vmem>> -> memref<1x128xi32, #tpu.memory_space<vmem>>
            %dma_wait3A_309 = tpu.memref_squeeze %dma_wait3A_308 : memref<1x128xi32, #tpu.memory_space<vmem>> -> memref<128xi32, #tpu.memory_space<vmem>>
            %dma_wait3A_310 = arith.constant 0 : i32
            %dma_wait3A_311 = arith.constant 0 : i32
            %dma_wait3A_312 = tpu.memref_slice %arg18[%dma_wait3A_310, %dma_wait3A_311] : memref<10000x128xf32, #tpu.memory_space<vmem_shared>> -> memref<10000x128xf32, #tpu.memory_space<vmem_shared>>
            tpu.wait_indirect_dma semaphore(%run_scoped3A : memref<!tpu.dma_semaphore, #tpu.memory_space<semaphore_mem>>) src(%arg15 : memref<128x128xf32, #tpu.memory_space<vmem>>) dst(%dma_wait3A_312 : memref<10000x128xf32, #tpu.memory_space<vmem_shared>>)
            tpu.yield
          }) : () -> ()
        } else {
        }
      }
      %scan3A_75 = arith.constant 8 : i32
    }
    %scan3A_44 = arith.constant 10 : i32
    %barrier3A_45 = arith.constant 0 : index
    tpu.barrier barrier_id(%barrier3A_45)
    %mul3A = arith.constant 640 : i32
    %mul3A_46 = arith.muli %arg1, %mul3A : i32
    %mul3A_47 = arith.constant 640 : i32
    %mul3A_48 = arith.muli %arg1, %mul3A_47 : i32
    "tpu.region"() ({
      %run_scoped3A = tpu.sem_alloc : memref<!tpu.dma_semaphore, #tpu.memory_space<semaphore_mem>>
      %dma_start3A = tpu.memref_slice %arg9[%arg0, %mul3A_48] : memref<2x10240xf32, #tpu.memory_space<hbm>> -> memref<1x640xf32, #tpu.memory_space<hbm>>
      %dma_start3A_59 = tpu.memref_squeeze %dma_start3A : memref<1x640xf32, #tpu.memory_space<hbm>> -> memref<640xf32, #tpu.memory_space<hbm>>
      %dma_start3A_60 = tpu.memref_slice %arg17[%mul3A_46] : memref<10240xf32, #tpu.memory_space<vmem_shared>> -> memref<640xf32, #tpu.memory_space<vmem_shared>>
      tpu.enqueue_dma source(%dma_start3A_60 : memref<640xf32, #tpu.memory_space<vmem_shared>>) target(%dma_start3A_59 : memref<640xf32, #tpu.memory_space<hbm>>) target_semaphore(%run_scoped3A : memref<!tpu.dma_semaphore, #tpu.memory_space<semaphore_mem>>)
      %dma_wait3A = tpu.memref_slice %arg9[%arg0, %mul3A_48] : memref<2x10240xf32, #tpu.memory_space<hbm>> -> memref<1x640xf32, #tpu.memory_space<hbm>>
      %dma_wait3A_61 = tpu.memref_squeeze %dma_wait3A : memref<1x640xf32, #tpu.memory_space<hbm>> -> memref<640xf32, #tpu.memory_space<hbm>>
      %dma_wait3A_62 = tpu.memref_slice %arg17[%mul3A_46] : memref<10240xf32, #tpu.memory_space<vmem_shared>> -> memref<640xf32, #tpu.memory_space<vmem_shared>>
      tpu.wait_dma2 semaphore(%run_scoped3A : memref<!tpu.dma_semaphore, #tpu.memory_space<semaphore_mem>>) src(%dma_wait3A_62 : memref<640xf32, #tpu.memory_space<vmem_shared>>) dst(%dma_wait3A_61 : memref<640xf32, #tpu.memory_space<hbm>>)
      tpu.yield
    }) : () -> ()
    %lt3A_49 = arith.constant 15 : i32
    %lt3A_50 = arith.cmpi slt, %arg1, %lt3A_49 : i32
    %convert_element_type3A_51 = arith.extui %lt3A_50 : i1 to i32
    %cond3A_52 = arith.constant 0 : i32
    %cond3A_53 = arith.cmpi ne, %convert_element_type3A_51, %cond3A_52 : i32
    scf.if %cond3A_53 {
      %mul3A_59 = arith.constant 640 : i32
      %mul3A_60 = arith.muli %arg1, %mul3A_59 : i32
      %mul3A_61 = arith.constant 640 : i32
      %mul3A_62 = arith.muli %arg1, %mul3A_61 : i32
      "tpu.region"() ({
        %run_scoped3A = tpu.sem_alloc : memref<!tpu.dma_semaphore, #tpu.memory_space<semaphore_mem>>
        %dma_start3A = arith.constant 0 : i32
        %dma_start3A_63 = tpu.memref_slice %arg8[%arg0, %mul3A_62, %dma_start3A] : memref<2x10000x128xf32, #tpu.memory_space<hbm>> -> memref<1x640x128xf32, #tpu.memory_space<hbm>>
        %dma_start3A_64 = tpu.memref_squeeze %dma_start3A_63 : memref<1x640x128xf32, #tpu.memory_space<hbm>> -> memref<640x128xf32, #tpu.memory_space<hbm>>
        %dma_start3A_65 = arith.constant 0 : i32
        %dma_start3A_66 = tpu.memref_slice %arg18[%mul3A_60, %dma_start3A_65] : memref<10000x128xf32, #tpu.memory_space<vmem_shared>> -> memref<640x128xf32, #tpu.memory_space<vmem_shared>>
        tpu.enqueue_dma source(%dma_start3A_66 : memref<640x128xf32, #tpu.memory_space<vmem_shared>>) target(%dma_start3A_64 : memref<640x128xf32, #tpu.memory_space<hbm>>) target_semaphore(%run_scoped3A : memref<!tpu.dma_semaphore, #tpu.memory_space<semaphore_mem>>)
        %dma_wait3A = arith.constant 0 : i32
        %dma_wait3A_67 = tpu.memref_slice %arg8[%arg0, %mul3A_62, %dma_wait3A] : memref<2x10000x128xf32, #tpu.memory_space<hbm>> -> memref<1x640x128xf32, #tpu.memory_space<hbm>>
        %dma_wait3A_68 = tpu.memref_squeeze %dma_wait3A_67 : memref<1x640x128xf32, #tpu.memory_space<hbm>> -> memref<640x128xf32, #tpu.memory_space<hbm>>
        %dma_wait3A_69 = arith.constant 0 : i32
        %dma_wait3A_70 = tpu.memref_slice %arg18[%mul3A_60, %dma_wait3A_69] : memref<10000x128xf32, #tpu.memory_space<vmem_shared>> -> memref<640x128xf32, #tpu.memory_space<vmem_shared>>
        tpu.wait_dma2 semaphore(%run_scoped3A : memref<!tpu.dma_semaphore, #tpu.memory_space<semaphore_mem>>) src(%dma_wait3A_70 : memref<640x128xf32, #tpu.memory_space<vmem_shared>>) dst(%dma_wait3A_68 : memref<640x128xf32, #tpu.memory_space<hbm>>)
        tpu.yield
      }) : () -> ()
    } else {
    }
    %eq3A_54 = arith.constant 15 : i32
    %eq3A_55 = arith.cmpi eq, %arg1, %eq3A_54 : i32
    %convert_element_type3A_56 = arith.extui %eq3A_55 : i1 to i32
    %cond3A_57 = arith.constant 0 : i32
    %cond3A_58 = arith.cmpi ne, %convert_element_type3A_56, %cond3A_57 : i32
    scf.if %cond3A_58 {
      "tpu.region"() ({
        %run_scoped3A = tpu.sem_alloc : memref<!tpu.dma_semaphore, #tpu.memory_space<semaphore_mem>>
        %dma_start3A = arith.constant 9600 : i32
        %dma_start3A_59 = arith.constant 0 : i32
        %dma_start3A_60 = tpu.memref_slice %arg8[%arg0, %dma_start3A, %dma_start3A_59] : memref<2x10000x128xf32, #tpu.memory_space<hbm>> -> memref<1x400x128xf32, #tpu.memory_space<hbm>>
        %dma_start3A_61 = tpu.memref_squeeze %dma_start3A_60 : memref<1x400x128xf32, #tpu.memory_space<hbm>> -> memref<400x128xf32, #tpu.memory_space<hbm>>
        %dma_start3A_62 = arith.constant 9600 : i32
        %dma_start3A_63 = arith.constant 0 : i32
        %dma_start3A_64 = tpu.memref_slice %arg18[%dma_start3A_62, %dma_start3A_63] : memref<10000x128xf32, #tpu.memory_space<vmem_shared>> -> memref<400x128xf32, #tpu.memory_space<vmem_shared>>
        tpu.enqueue_dma source(%dma_start3A_64 : memref<400x128xf32, #tpu.memory_space<vmem_shared>>) target(%dma_start3A_61 : memref<400x128xf32, #tpu.memory_space<hbm>>) target_semaphore(%run_scoped3A : memref<!tpu.dma_semaphore, #tpu.memory_space<semaphore_mem>>)
        %dma_wait3A = arith.constant 9600 : i32
        %dma_wait3A_65 = arith.constant 0 : i32
        %dma_wait3A_66 = tpu.memref_slice %arg8[%arg0, %dma_wait3A, %dma_wait3A_65] : memref<2x10000x128xf32, #tpu.memory_space<hbm>> -> memref<1x400x128xf32, #tpu.memory_space<hbm>>
        %dma_wait3A_67 = tpu.memref_squeeze %dma_wait3A_66 : memref<1x400x128xf32, #tpu.memory_space<hbm>> -> memref<400x128xf32, #tpu.memory_space<hbm>>
        %dma_wait3A_68 = arith.constant 9600 : i32
        %dma_wait3A_69 = arith.constant 0 : i32
        %dma_wait3A_70 = tpu.memref_slice %arg18[%dma_wait3A_68, %dma_wait3A_69] : memref<10000x128xf32, #tpu.memory_space<vmem_shared>> -> memref<400x128xf32, #tpu.memory_space<vmem_shared>>
        tpu.wait_dma2 semaphore(%run_scoped3A : memref<!tpu.dma_semaphore, #tpu.memory_space<semaphore_mem>>) src(%dma_wait3A_70 : memref<400x128xf32, #tpu.memory_space<vmem_shared>>) dst(%dma_wait3A_67 : memref<400x128xf32, #tpu.memory_space<hbm>>)
        tpu.yield
      }) : () -> ()
    } else {
    }
    return
  }
}

module attributes {stable_mosaic.version = 14 : i64} {
  func.func @body(%arg0: memref<10000x128xf32, #tpu.memory_space<vmem>>, %arg1: memref<128x128xf32, #tpu.memory_space<vmem>>, %arg2: memref<128xf32, #tpu.memory_space<vmem>>, %arg3: memref<128xf32, #tpu.memory_space<vmem>>, %arg4: memref<10000x128xf32, #tpu.memory_space<vmem>>, %arg5: memref<10000xf32, #tpu.memory_space<vmem>>, %arg6: memref<10000xf32, #tpu.memory_space<vmem>>, %arg7: memref<16xf32, #tpu.memory_space<vmem>>) attributes {dimension_semantics = [], scalar_prefetch = 0 : i64, scratch_operands = 0 : i64, tpu.core_type = #tpu.core_type<tc>} {
    %get3A = arith.constant 0 : index
    %get3A_0 = arith.constant 0 : index
    %get3A_1 = vector.load %arg0[%get3A, %get3A_0] : memref<10000x128xf32, #tpu.memory_space<vmem>>, vector<10000x128xf32>
    %get3A_2 = arith.constant 0 : index
    %get3A_3 = arith.constant 0 : index
    %get3A_4 = vector.load %arg1[%get3A_2, %get3A_3] : memref<128x128xf32, #tpu.memory_space<vmem>>, vector<128x128xf32>
    %dot_general3A = arith.constant dense<0.000000e+00> : vector<10000x128xf32>
    %dot_general3A_5 = tpu.matmul %get3A_1, %get3A_4, %dot_general3A {dimension_numbers = #tpu.dot_dimension_numbers<[1], [0], [0], [1], [0, 0, 1, 1], [], []>, precision = #tpu.contract_precision<fp32>, transpose_lhs_hint = false} : vector<10000x128xf32>, vector<128x128xf32>, vector<10000x128xf32> -> vector<10000x128xf32>
    %swap3A = arith.constant 0 : index
    %swap3A_6 = arith.constant 0 : index
    %swap3A_7 = vector.load %arg4[%swap3A, %swap3A_6] : memref<10000x128xf32, #tpu.memory_space<vmem>>, vector<10000x128xf32>
    tpu.vector_store %arg4[%swap3A, %swap3A_6], %dot_general3A_5 {strides = array<i32>} : memref<10000x128xf32, #tpu.memory_space<vmem>>, vector<10000x128xf32>,
    %get3A_8 = arith.constant 0 : index
    %get3A_9 = vector.load %arg2[%get3A_8] : memref<128xf32, #tpu.memory_space<vmem>>, vector<128xf32>
    %broadcast_in_dim3A = vector.shape_cast %get3A_9 : vector<128xf32> to vector<1x128xf32>
    %mul3A = vector.broadcast %broadcast_in_dim3A : vector<1x128xf32> to vector<10000x128xf32>
    %mul3A_10 = arith.mulf %dot_general3A_5, %mul3A : vector<10000x128xf32>
    %reduce_sum3A = arith.constant dense<0.000000e+00> : vector<10000xf32>
    %reduce_sum3A_11 = vector.multi_reduction <add>, %mul3A_10, %reduce_sum3A [1] : vector<10000x128xf32> to vector<10000xf32>
    %get3A_12 = arith.constant 0 : index
    %get3A_13 = vector.load %arg3[%get3A_12] : memref<128xf32, #tpu.memory_space<vmem>>, vector<128xf32>
    %broadcast_in_dim3A_14 = vector.shape_cast %get3A_13 : vector<128xf32> to vector<1x128xf32>
    %mul3A_15 = vector.broadcast %broadcast_in_dim3A_14 : vector<1x128xf32> to vector<10000x128xf32>
    %mul3A_16 = arith.mulf %dot_general3A_5, %mul3A_15 : vector<10000x128xf32>
    %reduce_sum3A_17 = arith.constant dense<0.000000e+00> : vector<10000xf32>
    %reduce_sum3A_18 = vector.multi_reduction <add>, %mul3A_16, %reduce_sum3A_17 [1] : vector<10000x128xf32> to vector<10000xf32>
    %swap3A_19 = arith.constant 0 : index
    %swap3A_20 = vector.load %arg5[%swap3A_19] : memref<10000xf32, #tpu.memory_space<vmem>>, vector<10000xf32>
    tpu.vector_store %arg5[%swap3A_19], %reduce_sum3A_11 {strides = array<i32>} : memref<10000xf32, #tpu.memory_space<vmem>>, vector<10000xf32>,
    %swap3A_21 = arith.constant 0 : index
    %swap3A_22 = vector.load %arg6[%swap3A_21] : memref<10000xf32, #tpu.memory_space<vmem>>, vector<10000xf32>
    tpu.vector_store %arg6[%swap3A_21], %reduce_sum3A_18 {strides = array<i32>} : memref<10000xf32, #tpu.memory_space<vmem>>, vector<10000xf32>,
    %reduce_max3A = vector.shape_cast %reduce_sum3A_11 : vector<10000xf32> to vector<1x10000xf32>
    %reduce_max3A_23 = arith.constant dense<0xFF800000> : vector<1xf32>
    %reduce_max3A_24 = vector.multi_reduction <maximumf>, %reduce_max3A, %reduce_max3A_23 [1] : vector<1x10000xf32> to vector<1xf32>
    %reduce_max3A_25 = vector.shape_cast %reduce_max3A_24 : vector<1xf32> to vector<1x1xf32>
    %reduce_max3A_26 = vector.extract %reduce_max3A_25[0, 0] : f32 from vector<1x1xf32>
    %reduce_max3A_27 = vector.shape_cast %reduce_sum3A_18 : vector<10000xf32> to vector<1x10000xf32>
    %reduce_max3A_28 = arith.constant dense<0xFF800000> : vector<1xf32>
    %reduce_max3A_29 = vector.multi_reduction <maximumf>, %reduce_max3A_27, %reduce_max3A_28 [1] : vector<1x10000xf32> to vector<1xf32>
    %reduce_max3A_30 = vector.shape_cast %reduce_max3A_29 : vector<1xf32> to vector<1x1xf32>
    %reduce_max3A_31 = vector.extract %reduce_max3A_30[0, 0] : f32 from vector<1x1xf32>
    %add3A = arith.addf %reduce_max3A_26, %reduce_max3A_31 : f32
    %ge3A = arith.constant 0.000000e+00 : f32
    %ge3A_32 = arith.cmpf oge, %add3A, %ge3A : f32
    %mul3A_33 = arith.constant 2.000000e-01 : f32
    %mul3A_34 = arith.mulf %mul3A_33, %add3A : f32
    %select_n3A = arith.select %ge3A_32, %add3A, %mul3A_34 : f32
    %broadcast_in_dim3A_35 = vector.broadcast %select_n3A : f32 to vector<16xf32>
    %swap3A_36 = arith.constant 0 : index
    %swap3A_37 = vector.load %arg7[%swap3A_36] : memref<16xf32, #tpu.memory_space<vmem>>, vector<16xf32>
    tpu.vector_store %arg7[%swap3A_36], %broadcast_in_dim3A_35 {strides = array<i32>} : memref<16xf32, #tpu.memory_space<vmem>>, vector<16xf32>,
    return
  }
}

module attributes {stable_mosaic.version = 14 : i64} {
  func.func @body(%arg0: memref<2x10000x128xf32, #tpu.memory_space<vmem>>, %arg1: memref<2x10000xf32, #tpu.memory_space<vmem>>, %arg2: memref<10000x128xf32, #tpu.memory_space<vmem>>, %arg3: memref<10000xf32, #tpu.memory_space<vmem>>, %arg4: memref<10000xf32, #tpu.memory_space<vmem>>, %arg5: memref<16xf32, #tpu.memory_space<vmem>>, %arg6: memref<128xf32, #tpu.memory_space<vmem>>, %arg7: memref<10000x128xf32, #tpu.memory_space<vmem>>) attributes {dimension_semantics = [], scalar_prefetch = 0 : i64, scratch_operands = 0 : i64, tpu.core_type = #tpu.core_type<tc>} {
    %get3A = arith.constant 0 : index
    %get3A_0 = vector.load %arg3[%get3A] : memref<10000xf32, #tpu.memory_space<vmem>>, vector<10000xf32>
    %get3A_1 = arith.constant 0 : index
    %get3A_2 = vector.load %arg4[%get3A_1] : memref<10000xf32, #tpu.memory_space<vmem>>, vector<10000xf32>
    %add3A = arith.addf %get3A_0, %get3A_2 : vector<10000xf32>
    %ge3A = arith.constant 0.000000e+00 : f32
    %ge3A_3 = vector.broadcast %ge3A : f32 to vector<10000xf32>
    %ge3A_4 = arith.cmpf oge, %add3A, %ge3A_3 : vector<10000xf32>
    %mul3A = arith.constant 2.000000e-01 : f32
    %mul3A_5 = vector.broadcast %mul3A : f32 to vector<10000xf32>
    %mul3A_6 = arith.mulf %mul3A_5, %add3A : vector<10000xf32>
    %select_n3A = arith.select %ge3A_4, %add3A, %mul3A_6 : vector<10000xi1>, vector<10000xf32>
    %get3A_7 = arith.constant 0 : index
    %get3A_8 = vector.load %arg5[%get3A_7] : memref<16xf32, #tpu.memory_space<vmem>>, vector<1xf32>
    %get3A_9 = vector.extract %get3A_8[0] : f32 from vector<1xf32>
    %sub3A = vector.broadcast %get3A_9 : f32 to vector<10000xf32>
    %sub3A_10 = arith.subf %select_n3A, %sub3A : vector<10000xf32>
    %exp3A = math.exp %sub3A_10 : vector<10000xf32>
    %get3A_11 = arith.constant 0 : index
    %get3A_12 = arith.constant 0 : index
    %get3A_13 = vector.load %arg1[%get3A_11, %get3A_12] : memref<2x10000xf32, #tpu.memory_space<vmem>>, vector<1x10000xf32>
    %get3A_14 = vector.shape_cast %get3A_13 : vector<1x10000xf32> to vector<10000xf32>
    %get3A_15 = arith.constant 1 : index
    %get3A_16 = arith.constant 0 : index
    %get3A_17 = vector.load %arg1[%get3A_15, %get3A_16] : memref<2x10000xf32, #tpu.memory_space<vmem>>, vector<1x10000xf32>
    %get3A_18 = vector.shape_cast %get3A_17 : vector<1x10000xf32> to vector<10000xf32>
    %add3A_19 = arith.addf %get3A_14, %get3A_18 : vector<10000xf32>
    %add3A_20 = arith.addf %add3A_19, %exp3A : vector<10000xf32>
    %get3A_21 = arith.constant 0 : index
    %get3A_22 = arith.constant 0 : index
    %get3A_23 = arith.constant 0 : index
    %get3A_24 = vector.load %arg0[%get3A_21, %get3A_22, %get3A_23] : memref<2x10000x128xf32, #tpu.memory_space<vmem>>, vector<1x10000x128xf32>
    %get3A_25 = vector.shape_cast %get3A_24 : vector<1x10000x128xf32> to vector<10000x128xf32>
    %get3A_26 = arith.constant 1 : index
    %get3A_27 = arith.constant 0 : index
    %get3A_28 = arith.constant 0 : index
    %get3A_29 = vector.load %arg0[%get3A_26, %get3A_27, %get3A_28] : memref<2x10000x128xf32, #tpu.memory_space<vmem>>, vector<1x10000x128xf32>
    %get3A_30 = vector.shape_cast %get3A_29 : vector<1x10000x128xf32> to vector<10000x128xf32>
    %add3A_31 = arith.addf %get3A_25, %get3A_30 : vector<10000x128xf32>
    %broadcast_in_dim3A = vector.shape_cast %exp3A : vector<10000xf32> to vector<10000x1xf32>
    %get3A_32 = arith.constant 0 : index
    %get3A_33 = arith.constant 0 : index
    %get3A_34 = vector.load %arg2[%get3A_32, %get3A_33] : memref<10000x128xf32, #tpu.memory_space<vmem>>, vector<10000x128xf32>
    %mul3A_35 = vector.broadcast %broadcast_in_dim3A : vector<10000x1xf32> to vector<10000x128xf32>
    %mul3A_36 = arith.mulf %mul3A_35, %get3A_34 : vector<10000x128xf32>
    %add3A_37 = arith.addf %add3A_31, %mul3A_36 : vector<10000x128xf32>
    %broadcast_in_dim3A_38 = vector.shape_cast %add3A_20 : vector<10000xf32> to vector<10000x1xf32>
    %div3A = vector.broadcast %broadcast_in_dim3A_38 : vector<10000x1xf32> to vector<10000x128xf32>
    %div3A_39 = arith.divf %add3A_37, %div3A : vector<10000x128xf32>
    %get3A_40 = arith.constant 0 : index
    %get3A_41 = vector.load %arg6[%get3A_40] : memref<128xf32, #tpu.memory_space<vmem>>, vector<128xf32>
    %broadcast_in_dim3A_42 = vector.shape_cast %get3A_41 : vector<128xf32> to vector<1x128xf32>
    %add3A_43 = vector.broadcast %broadcast_in_dim3A_42 : vector<1x128xf32> to vector<10000x128xf32>
    %add3A_44 = arith.addf %div3A_39, %add3A_43 : vector<10000x128xf32>
    %swap3A = arith.constant 0 : index
    %swap3A_45 = arith.constant 0 : index
    %swap3A_46 = vector.load %arg7[%swap3A, %swap3A_45] : memref<10000x128xf32, #tpu.memory_space<vmem>>, vector<10000x128xf32>
    tpu.vector_store %arg7[%swap3A, %swap3A_45], %add3A_44 {strides = array<i32>} : memref<10000x128xf32, #tpu.memory_space<vmem>>, vector<10000x128xf32>,
    return
  }
}

</mosaic_0001>

<sc_bundles>
// kernel: kernel.5.cloned.1.call-start
scs
__scs_entry_jumppad:
0x0: {  	(pc) =	sbr.rel $0x88, $3  }
0x1: {  	(tag) =	ssettag $0x0;
	lr =	simm.s32 $0x1  }
0x2: {  	[smem:$0x3F9B] =	sst lr;
	_ =	strace $0xD0000000  }
0x3: {  	_ = 	snop  }
0x4: {  	_ = 	snop  }
0x5: {  	_ = 	snop  }
0x6: {  	_ = 	snop  }
0x7: {  	_ = 	snop  }
__scs_overlays_trampoline_lowered:
0x8: {  	[smem:$0x3FAA] =	sst s0  }
0x9: {  	[smem:$0x3FAB] =	sst s1  }
0xa: {  	[smem:$0x3FAC] =	sst s2  }
0xb: {  	[smem:$0x3FAD] =	sst s3  }
0xc: {  	[smem:$0x3FAE] =	sst s4  }
0xd: {  	[smem:$0x3FAF] =	sst s5  }
0xe: {  	[smem:$0x3FB0] =	sst s6  }
0xf: {  	[smem:$0x3FB1] =	sst s7  }
0x10: {  	[smem:$0x3FB2] =	sst s8  }
0x11: {  	[smem:$0x3FB3] =	sst s9;
	s0 =	simm.s32 @!p0 $0x0  }
0x12: {  	s1 =	sld [smem:$0x3F99];
	s0 =	simm.s32 @p0 $0x1  }
0x13: {  	[smem:$0x3FB4] =	sst s0;
	s0 =	simm.s32 @!p1 $0x0  }
0x14: {  	s2 =	sld [smem:$0x3F98];
	s0 =	simm.s32 @p1 $0x1  }
0x15: {  	[smem:$0x3FB5] =	sst s0;
	s0 =	simm.s32 @!p2 $0x0  }
0x16: {  	s3 =	sld [smem:$0x3FDB];
	s0 =	simm.s32 @p2 $0x1  }
0x17: {  	s4 =	simm.s32 $0x1BF5;
	[smem:$0x3FB7] =	sst s0  }
0x18: {  	s0 =	sld [smem:$0x3F9A];
	_ =	swait.ge [sflag:s4], $0x0  }
0x19: {  	s7 =	sld [smem:$0x3F9B]  }
0x1a: {  	s8 =	sadd.s32 $0xFFFFE003, lr  }
0x1b: {  	s9 =	sadd.s32 $0xFFFFFEF7, lr;
	s5 =	simm.s32 $0xFFFFFFFF;
	p2 =	slt.u32 s8, $0xFFFFF086  }
0x1c: {  	p1 =	slt.u32 s9, $0xF7A;
	s5 =	simm.s32 @!p2 $0x0  }
0x1d: {  	s5 =	simm.s32 @p1 $0x1;
	p0 =	seq.s32 s7, s2  }
0x1e: {  	s7 =	smul.u32 @!p0 $0xF7A, s2;
	p2 =	seq.s32 @!p0 s5, $0x0  }
0x1f: {  	s9 =	smul.u32 $0xF7A, s1;
	s8 =	simm.s32 @!p0 $0x1BF5;
	p2 =	por !p2, p0  }
0x20: {  	[sflag:s8] =	ssyncset.s32 @!p0 $0xFFFFF086;
	s6 =	sadd.s32 @!p0 s3, s7;
	s7 =	simm.s32 @!p0 $0x108  }
0x21: {  	s3 =	sadd.s32 s3, s9;
	s6 =	sadd.s32 @!p0 $0x88, s6;
	s7 =	simm.s32 @p2 $0x1082  }
0x22: {  	[simem:s7], [sflag:s8] =	dma.local @!p0 [hbm:s6], $0xF7A  }
0x23: {  	s9 =	sor.u32 $0xD0000000, s2;
	s6 =	simm.s32 $0x108;
	_ =	swait.ge @!p0 [sflag:s8], $0x0  }
0x24: {  	s3 =	sadd.s32 $0x88, s3;
	s6 =	simm.s32 @!p1 $0x1082;
	[sflag:s4] =	ssyncset.s32 $0xFFFFF086  }
0x25: {  	[simem:s6], [sflag:s4] =	dma.local [hbm:s3], $0xF7A  }
0x26: {  	[smem:$0x3F9B] =	sst s1;
	(tag) =	ssettag s2;
	_ =	strace s9  }
0x27: {  	s1 =	sld [smem:$0x3FAB]  }
0x28: {  	s2 =	sld [smem:$0x3FAC]  }
0x29: {  	s4 =	sld [smem:$0x3FAE]  }
0x2a: {  	p0 =	seq.s32 s5, $0x0;
	s5 =	sld [smem:$0x3FAF]  }
0x2b: {  	s6 =	sld [smem:$0x3FB0]  }
0x2c: {  	s7 =	sld [smem:$0x3FB1]  }
0x2d: {  	s3 =	simm.s32 $0x108;
	s8 =	sld [smem:$0x3FB2]  }
0x2e: {  	s3 =	simm.s32 @!p0 $0x1082;
	s9 =	sld [smem:$0x3FB3]  }
0x2f: {  	lr =	sadd.s32 s0, s3;
	s0 =	sld [smem:$0x3FAA]  }
0x30: {  	s3 =	sld [smem:$0x3FAD]  }
0x31: {  	[smem:$0x3FB6] =	sst s10  }
0x32: {  	s10 =	sld [smem:$0x3FB4];
	_ =	sdelay $0x3  }
0x33: {  	p0 =	seq.s32 s10, $0x1;
	s10 =	sld [smem:$0x3FB6];
	_ =	sdelay $0x3  }
0x34: {  	[smem:$0x3FB6] =	sst s10  }
0x35: {  	s10 =	sld [smem:$0x3FB5];
	_ =	sdelay $0x3  }
0x36: {  	p1 =	seq.s32 s10, $0x1;
	s10 =	sld [smem:$0x3FB6];
	_ =	sdelay $0x3  }
0x37: {  	[smem:$0x3FB6] =	sst s10  }
0x38: {  	s10 =	sld [smem:$0x3FB7]  }
0x39: {  	_ = 	snop;
	(pc) =	sbr.ind lr, $3  }
0x3a: {  	_ = 	snop  }
0x3b: {  	_ = 	snop  }
0x3c: {  	p2 =	seq.s32 s10, $0x1;
	s10 =	sld [smem:$0x3FB6]  }
0x3d: {  	_ =	shalt  }
0x3e: {  	_ =	shalt  }
0x3f: {  	_ =	shalt  }
0x40: {  	_ =	shalt  }
0x41: {  	_ =	shalt  }
0x42: {  	_ =	shalt  }
0x43: {  	_ =	shalt  }
0x44: {  	_ =	shalt  }
0x45: {  	_ =	shalt  }
0x46: {  	_ =	shalt  }
0x47: {  	_ =	shalt  }
0x48: {  	_ =	shalt  }
0x49: {  	_ =	shalt  }
0x4a: {  	_ =	shalt  }
0x4b: {  	_ =	shalt  }
0x4c: {  	_ =	shalt  }
0x4d: {  	_ =	shalt  }
0x4e: {  	_ =	shalt  }
0x4f: {  	_ =	shalt  }
0x50: {  	_ =	shalt  }
0x51: {  	_ =	shalt  }
0x52: {  	_ =	shalt  }
0x53: {  	_ =	shalt  }
0x54: {  	_ =	shalt  }
0x55: {  	_ =	shalt  }
0x56: {  	_ =	shalt  }
0x57: {  	_ =	shalt  }
0x58: {  	_ =	shalt  }
0x59: {  	_ =	shalt  }
0x5a: {  	_ =	shalt  }
0x5b: {  	_ =	shalt  }
0x5c: {  	_ =	shalt  }
0x5d: {  	_ =	shalt  }
0x5e: {  	_ =	shalt  }
0x5f: {  	_ =	shalt  }
0x60: {  	_ =	shalt  }
0x61: {  	_ =	shalt  }
0x62: {  	_ =	shalt  }
0x63: {  	_ =	shalt  }
0x64: {  	_ =	shalt  }
0x65: {  	_ =	shalt  }
0x66: {  	_ =	shalt  }
0x67: {  	_ =	shalt  }
0x68: {  	_ =	shalt  }
0x69: {  	_ =	shalt  }
0x6a: {  	_ =	shalt  }
0x6b: {  	_ =	shalt  }
0x6c: {  	_ =	shalt  }
0x6d: {  	_ =	shalt  }
0x6e: {  	_ =	shalt  }
0x6f: {  	_ =	shalt  }
0x70: {  	_ =	shalt  }
0x71: {  	_ =	shalt  }
0x72: {  	_ =	shalt  }
0x73: {  	_ =	shalt  }
0x74: {  	_ =	shalt  }
0x75: {  	_ =	shalt  }
0x76: {  	_ =	shalt  }
0x77: {  	_ =	shalt  }
0x78: {  	_ =	shalt  }
0x79: {  	_ =	shalt  }
0x7a: {  	_ =	shalt  }
0x7b: {  	_ =	shalt  }
0x7c: {  	_ =	shalt  }
0x7d: {  	_ =	shalt  }
0x7e: {  	_ =	shalt  }
0x7f: {  	_ =	shalt  }
0x80: {  	_ =	shalt  }
0x81: {  	_ =	shalt  }
0x82: {  	_ =	shalt  }
0x83: {  	_ =	shalt  }
0x84: {  	_ =	shalt  }
0x85: {  	_ =	shalt  }
0x86: {  	_ =	shalt  }
0x87: {  	_ =	shalt  }
.Lfunc_end0:
.L_simem_size_0:
called_computation_lowered:
.L_overlay_start_0:
0x88: {  	s2 =	sld [smem:$0x3FD9]  }
0x89: {  	s3 =	sld [smem:$0x3FFE];
	_ =	sdelay $0x1  }
0x8a: {  	s1 =	srdreg.scid  }
0x8b: {  	s0 =	sand.u32 $0x1, s1  }
0x8c: {  	s17 =	sshll.u32 s0, $0xA;
	s2 =	sadd.s32 s3, s2  }
0x8d: {  	s2 =	sadd.s32 s2, s17  }
0x8e: {  	[smem:$0x3FC2] =	sst s2  }
0x8f: {  	_ = 	snop  }
0x90: {  	s2 =	sld [smem:$0x3FD0];
	(tm) =	ssettm $0x1  }
0x91: {  	s18 =	sld [smem:$0x3FFB];
	_ =	sdelay $0x3  }
0x92: {  	_ =	strace s18  }
0x93: {  	s3 =	sld [smem:$0x3FFC];
	_ =	sdelay $0x3  }
0x94: {  	_ =	strace s3  }
0x95: {  	s3 =	sld [smem:$0x3FFD];
	_ =	sdelay $0x3  }
0x96: {  	_ =	strace s3  }
0x97: {  	_ =	strace $0x8FFFFFFF  }
0x98: {  	s19 =	sld [smem:$0x3FDB];
	_ =	sdelay $0x1  }
0x99: {  	s4 =	simm.s32 $_scs_section_size  }
0x9a: {  	s5 =	simm.s32 $_size__tile_overlayer_lowered;
	s6 =	simm.s32 $_tile_overlayer_lowered  }
0x9b: {  	s22 =	simm.s32 $0x1BFF;
	s21 =	sshll.u32 s6, $0x1;
	s3 =	sadd.s32 s4, s19  }
0x9c: {  	s7 =	simm.s32 $0x0;
	s20 =	sshll.u32 s5, $0x1;
	s5 =	sadd.s32 s21, s3  }
0x9d: {  	[timem:s7], [sflag:s22] =	dma.local [hbm:s5], s20  }
0x9e: {  	_ =	swait.ge [sflag:s22], s20  }
0x9f: {  	s4 =	ssub.s32 $0x0, s20;
	[sflag:s22] =	ssyncset.done $0x0  }
0xa0: {  	[sflag:s22] =	ssyncadd.s32 s4;
	_ =	sdelay $0x1  }
0xa1: {  	s23 =	simm.s32 $0x1B8B  }
0xa2: {  	_ =	swait.ge [sflag:s23], $0x1  }
0xa3: {  	[sflag:s23] =	ssyncset.done $0x0  }
0xa4: {  	s25 =	simm.s32 $0x1B8E;
	s24 =	sld [smem:$0x3FFE];
	[sflag:s23] =	ssyncadd.s32 $0xFFFFFFFF  }
0xa5: {  	s26 =	simm.s32 $execute0_lowered;
	[smem:$0x3FD2] =	sst s25  }
0xa6: {  	s5 =	sshll.u32 s26, $0x1;
	_ =	strace $0x80000046;
	[dreg:$0x1] =	wrdreg $0xFFFFFFFF  }
0xa7: {  	s28 =	simm.s32 $_size_execute0_lowered;
	s3 =	sadd.s32 s3, s5;
	[dreg:$0x0] =	wrdreg $0x0  }
0xa8: {  	s5 =	sshll.u32 s28, $0x1;
	[dreg:$0x2] =	wrdreg s3  }
0xa9: {  	[dreg:$0x3] =	wrdreg s5  }
0xaa: {  	[dreg:$0x4] =	wrdreg $0xC0  }
0xab: {  	_ =	task [dreg:s7], $0x5FFFF  }
0xac: {  	[dreg:$0x1] =	wrdreg $0xFFFFFFFF  }
0xad: {  	[dreg:$0x0] =	wrdreg $0x60  }
0xae: {  	[dreg:$0x2] =	wrdreg s24  }
0xaf: {  	[dreg:$0x3] =	wrdreg s2  }
0xb0: {  	[dreg:$0x4] =	wrdreg $0x9A800  }
0xb1: {  	[dreg:$0x5] =	wrdreg $0x98000  }
0xb2: {  	[dreg:$0x6] =	wrdreg $0x9  }
0xb3: {  	_ =	task.clear_ibuf [dreg:s7], $0x7FFFF;
	_ =	strace $0x90000046  }
0xb4: {  	s29 =	simm.s32 $0x9;
	_ =	strace $0x80000048  }
0xb5: {  	_ =	swait.ge [sflag:s29], $0x1  }
0xb6: {  	[sflag:s29] =	ssyncadd.s32 $0xFFFFFFFF  }
0xb7: {  	_ =	strace $0x90000048  }
0xb8: {  	_ =	sfence  }
0xb9: {  	s30 =	sld [smem:$0x0];
	_ =	sdelay $0x2  }
0xba: {  	s31 =	sshll.u32 s1, $0xD;
	s1 =	sshrl.u32 s1, $0x2  }
0xbb: {  	s3 =	sand.u32 $0x4000, s31;
	s1 =	sadd.s32 s1, s30  }
0xbc: {  	s0 =	sor.u32 s3, s0;
	s1 =	sshll.u32 s1, $0x11  }
0xbd: {  	s0 =	sor.u32 s1, s0  }
0xbe: {  	s0 =	sadd.s32 $0x8F2B, s0  }
0xbf: {  	[sflag:s0] =	ssyncadd.remote.s32 $0x1  }
0xc0: {  	_ =	sfence.sel $0xFFFF  }
0xc1: {  	[dreg:$0x0] =	wrdreg $0xFFFFFFFF;
	(pc) =	sbr.abs _section_cstart, $3  }
0xc2: {  	[dreg:$0x1] =	wrdreg $0xFFFFFFFF  }
0xc3: {  	_ =	task.clear_ibuf [dreg:s7], $0x2FFFF;
	_ =	strace $0x9FFFFFFF  }
0xc4: {  	(tm) =	ssettm $0x7FFFFFFF  }
0xc5: {  	_ =	shalt  }
tec
execute0_lowered:
.L_overlay_start_1:
0x0: {  	(tag) =	ssettag $0x1  }
0x1: {  	s0 =	rddreg [dreg:$0x0]  }
0x2: {  	s1 =	rddreg [dreg:$0x1]  }
0x3: {  	s2 =	rddreg [dreg:$0x2]  }
0x4: {  	s4 =	rddreg [dreg:$0x3]  }
0x5: {  	s5 =	simm.s32 $0x0;
	s16 =	stileid.u32;
	s3 =	srdreg.scid  }
0x6: {  	[smem:$0x7FF] =	sst s5;
	s8 =	smul.u32 $0x500, s16  }
0x7: {  	s3 =	sand.u32 $0x1, s3;
	s9 =	smul.u32 $0xA0, s16;
	s6 =	sadd.s32 $0xC600, s0  }
0x8: {  	s7 =	sadd.s32 $0x2600, s0;
	s11 =	sadd.s32 $0x17E00, s0;
	s13 =	smul.u32 $0x14000, s16  }
0x9: {  	s15 =	smul.u32 $0x280, s16;
	p0 =	seq.s32 s16, $0xF;
	_ =	strace $0x80000047  }
0xa: {  	s10 =	smul.u32 $0x138800, s3;
	s12 =	sshll.u32 s3, $0x7;
	s23 =	ssub.s32 $0x2, s3  }
0xb: {  	s3 =	smul.u32 $0x50, s3;
	s12 =	sor.u32 s12, s8;
	s14 =	sshrl.u32 s23, $0x1  }
0xc: {  	s26 =	sadd.s32 $0x140, s15;
	s29 =	sadd.s32 $0x190, s15;
	s31 =	sadd.s32 $0x1E0, s15  }
0xd: {  	s13 =	sadd.s32 s13, s10;
	s14 =	ssub.s32 s23, s14;
	s8 =	sadd.s32 s3, s9  }
0xe: {  	s25 =	sshrl.u32 s10, $0x3;
	s10 =	sadd.s32 $0xF0, s15;
	s28 =	sshll.u32 s26, $0x7  }
0xf: {  	s19 =	sadd.s32 s26, s4;
	s30 =	sshll.u32 s29, $0x7;
	s21 =	sadd.s32 s29, s4  }
0x10: {  	s23 =	sshll.u32 s31, $0x7;
	s9 =	sadd.s32 $0x26C0, s4;
	s26 =	sshrl.u32 s12, $0x3  }
0x11: {  	s29 =	sadd.s32 $0x16600, s0;
	s12 =	simm.s32 $0x5780;
	s24 =	sshrl.u32 s13, $0x3  }
0x12: {  	s17 =	sadd.s32 s10, s4;
	s18 =	sadd.s32 s28, s2;
	s20 =	sadd.s32 s30, s2  }
0x13: {  	s22 =	sadd.s32 s23, s2;
	s23 =	sadd.s32 s31, s4;
	s28 =	smul.u32 $0xA00, s16  }
0x14: {  	s13 =	sadd.s32 $0x12E800, s2;
	[dreg:$0xf] =	wrdreg s29;
	s30 =	smul.u32 $0x50000, s16  }
0x15: {  	s31 =	sadd.s32 $0x16C00, s0;
	s29 =	sshll.u32 s10, $0x7;
	s10 =	simm.s32 $0x3  }
0x16: {  	s3 =	sadd.s32 s11, s24;
	s24 =	sadd.s32 $0x230, s15;
	[dreg:$0x10] =	wrdreg s31  }
0x17: {  	s18 =	smov.u32 @p0 s13;
	s13 =	sadd.s32 $0x131000, s2;
	[dreg:$0x5] =	wrdreg s3  }
0x18: {  	s3 =	sadd.s32 s11, s25;
	s11 =	sadd.s32 $0x2580, s4;
	[dreg:$0x7] =	wrdreg s18  }
0x19: {  	s20 =	smov.u32 @p0 s13;
	s13 =	sadd.s32 $0x133800, s2;
	s25 =	sshll.u32 s24, $0x7  }
0x1a: {  	s18 =	sshrl.u32 s30, $0x2;
	s17 =	smov.u32 @p0 s11;
	s11 =	sadd.s32 $0x25D0, s4  }
0x1b: {  	[dreg:$0x9] =	wrdreg s20;
	s22 =	smov.u32 @p0 s13;
	s13 =	sadd.s32 $0x2670, s4  }
0x1c: {  	s20 =	sor.u32 $0x50, s15;
	[dreg:$0x6] =	wrdreg s17;
	s19 =	smov.u32 @p0 s11  }
0x1d: {  	s11 =	sadd.s32 $0x2620, s4;
	[dreg:$0xb] =	wrdreg s22;
	s17 =	sadd.s32 s25, s2  }
0x1e: {  	s23 =	smov.u32 @p0 s13;
	s13 =	sadd.s32 s24, s4;
	s22 =	sshll.u32 s20, $0x7  }
0x1f: {  	s24 =	sadd.s32 $0xA0, s15;
	s25 =	sadd.s32 s15, s4;
	[dreg:$0x8] =	wrdreg s19  }
0x20: {  	s15 =	simm.s32 $0x80;
	s21 =	smov.u32 @p0 s11;
	[dreg:$0xc] =	wrdreg s23  }
0x21: {  	s11 =	sadd.s32 $0x136000, s2;
	s13 =	smov.u32 @p0 s9;
	s23 =	sadd.s32 s18, s2  }
0x22: {  	s19 =	sadd.s32 $0x25800, s3;
	[dreg:$0x15] =	wrdreg s25;
	s3 =	sadd.s32 s22, s2  }
0x23: {  	s30 =	sadd.s32 s24, s4;
	s22 =	simm.s32 $0x4;
	[dreg:$0xa] =	wrdreg s21  }
0x24: {  	s25 =	simm.s32 $0x0;
	s17 =	smov.u32 @p0 s11;
	[dreg:$0xe] =	wrdreg s13  }
0x25: {  	s11 =	sadd.s32 s26, s0;
	s0 =	sadd.s32 $0x17200, s0;
	[dreg:$0x13] =	wrdreg s19  }
0x26: {  	s13 =	sshrl.u32 s28, $0x2;
	s21 =	smax.u32 s14, $0x1;
	[dreg:$0x16] =	wrdreg s3  }
0x27: {  	s26 =	sshll.u32 s24, $0x7;
	[dreg:$0x19] =	wrdreg s30;
	s3 =	sadd.s32 $0x12C000, s2  }
0x28: {  	s19 =	simm.s32 $0x5700;
	s14 =	simm.s32 $0x40;
	[dreg:$0xd] =	wrdreg s17  }
0x29: {  	s24 =	simm.s32 $0x2;
	[dreg:$0x11] =	wrdreg s0;
	s16 =	sadd.s32 $0x17400, s11  }
0x2a: {  	s17 =	sadd.s32 s13, s4;
	[dreg:$0x14] =	wrdreg s21;
	s0 =	sadd.s32 s20, s4  }
.Ltmp0:
0x2b: {  	s28 =	sadd.s32 s26, s2;
	[dreg:$0x1a] =	wrdreg s3;
	(pc) =	sbr.rel .LBB2_1-.Ltmp0, $4  }
0x2c: {  	s11 =	simm.s32 $0x2780;
	s13 =	simm.s32 $0x4F00;
	[dreg:$0x12] =	wrdreg s16  }
0x2d: {  	s20 =	simm.s32 $0x5300;
	s21 =	simm.s32 $0x7780;
	[dreg:$0x17] =	wrdreg s0  }
0x2e: {  	[dreg:$0x18] =	wrdreg s28;
	s0 =	sadd.s32 s29, s2;
	s31 =	sshrl.u32 s17, $0x3  }
0x2f: {  	v0 =	vimm.f32 $0.0e+00;
	s16 =	simm.s32 $0x1;
	s0 =	smov.u32 @p0 s3;
	[dreg:$0x1b] =	wrdreg s31  }
.LBB2_13:
0x30: {  	s3 =	stileid.u32;
	[bflag:$0x0] =	sbarrier.arrive $0xFFFF  }
0x31: {  	s18 =	simm.s32 $0x20;
	s3 =	sshll.u32 s3, $0x6;
	s9 =	rddreg [dreg:$0x12]  }
0x32: {  	s26 =	simm.s32 $0x10;
	s17 =	rddreg [dreg:$0x1b];
	s3 =	sor.u32 $0x1C03, s3  }
0x33: {  	[hbm:s9@s18], [sflag:s3] =	dma.strided [spmem:s17@s26], $0x50, s16, $0x10   }
0x34: {  	_ =	swait.ge [sflag:s10], $0x50  }
0x35: {  	[sflag:s10] =	ssyncset.done $0x0;
	s9 =	rddreg [dreg:$0x1a]  }
0x36: {  	s17 =	rddreg [dreg:$0x13];
	[sflag:s10] =	ssyncadd.s32 $0xFFFFFFB0;
	s9 =	sshrl.u32 @p0 s9, $0x3  }
0x37: {  	[hbm:s17], [sflag:s3] =	dma.local @p0 [spmem:s9], $0x1900  }
0x38: {  	s9 =	simm.s32 @p0 $0x3  }
0x39: {  	_ =	swait.ge @p0 [sflag:s9], $0x1900  }
0x3a: {  	[sflag:s9] =	ssyncset.done @p0 $0x0  }
0x3b: {  	s17 =	rddreg [dreg:$0x5];
	[sflag:s9] =	ssyncadd.s32 @p0 $0xFFFFE700;
	s9 =	sshrl.u32 @!p0 s23, $0x3  }
0x3c: {  	[hbm:s17], [sflag:s3] =	dma.local @!p0 [spmem:s9], $0x2800  }
0x3d: {  	s3 =	simm.s32 @!p0 $0x3  }
0x3e: {  	_ =	swait.ge @!p0 [sflag:s3], $0x2800  }
0x3f: {  	s25 =	sadd.s32 $0x1, s25;
	s31 =	rddreg [dreg:$0x14]  }
0x40: {  	p1 =	sne.s32 s25, s31  }
.Ltmp1:
0x41: {  	_ = 	snop;
	(pc) =	sbr.rel @!p1 .LBB2_14-.Ltmp1, $3  }
0x42: {  	_ =	sdelay $0x1  }
0x43: {  	[sflag:s3] =	ssyncset.done @!p0 $0x0  }
0x44: {  	[sflag:s3] =	ssyncadd.s32 @!p0 $0xFFFFD800  }
.LBB2_1:
0x45: {  	s3 =	rddreg [dreg:$0xf]  }
0x46: {  	[tilespmem:s5], [sflag:$0x3] =	stream.linear.gather [hbm4b:s3+s5], $0x2780, $0x38;
	[tilespmem:$0x1D300] =	vst v63  }
0x47: {  	_ =	swait.ge [sflag:s10], $0x2780  }
0x48: {  	[sflag:s10] =	ssyncset.done $0x0  }
0x49: {  	s30 =	rddreg [dreg:$0x10];
	[sflag:s10] =	ssyncadd.s32 $0xFFFFD880  }
0x4a: {  	[tilespmem:s11], [sflag:$0x3] =	stream.linear.gather [hbm4b:s30+s5], $0x2780, $0x38;
	[tilespmem:$0x1D300] =	vst v63  }
0x4b: {  	_ =	swait.ge [sflag:s10], $0x2780  }
0x4c: {  	[sflag:s10] =	ssyncset.done $0x0  }
0x4d: {  	s9 =	simm.s32 $0x9780;
	s31 =	rddreg [dreg:$0x11];
	[sflag:s10] =	ssyncadd.s32 $0xFFFFD880  }
0x4e: {  	[tilespmem:s9], [sflag:$0x3] =	stream.linear.gather [hbm4b:s31+s5], $0x80, $0x38;
	[tilespmem:$0x1D300] =	vst v63  }
0x4f: {  	_ =	swait.ge [sflag:s10], $0x80  }
0x50: {  	[sflag:s10] =	ssyncset.done $0x0  }
0x51: {  	s17 =	simm.s32 $0x200;
	s9 =	simm.s32 $0x0;
	[sflag:s10] =	ssyncadd.s32 $0xFFFFFF80  }
.LBB2_2:
0x52: {  	p1 =	sne.s32 s17, $0xFE00;
	[tilespmem:s9+$0x57F0] =	vst v0  }
0x53: {  	[tilespmem:s9+$0x5780] =	vst v0  }
0x54: {  	[tilespmem:s9+$0x5790] =	vst v0  }
.Ltmp2:
0x55: {  	[tilespmem:s9+$0x57A0] =	vst v0;
	(pc) =	sbr.rel @p1 .LBB2_2-.Ltmp2, $4  }
0x56: {  	[tilespmem:s9+$0x57B0] =	vst v0  }
0x57: {  	[tilespmem:s9+$0x57C0] =	vst v0  }
0x58: {  	[tilespmem:s9+$0x57D0] =	vst v0  }
0x59: {  	[tilespmem:s9+$0x57E0] =	vst v0;
	s9 =	sshra.s32 s17, $0x2;
	s17 =	sadd.s32 $0x200, s17  }
0x5a: {  	[tilespmem:s9+$0x57F0] =	vst v0  }
0x5b: {  	[tilespmem:s9+$0x5780] =	vst v0  }
0x5c: {  	[tilespmem:s9+$0x5790] =	vst v0  }
0x5d: {  	[tilespmem:s9+$0x57A0] =	vst v0  }
0x5e: {  	[tilespmem:s9+$0x57B0] =	vst v0  }
0x5f: {  	[tilespmem:s9+$0x57C0] =	vst v0  }
0x60: {  	[tilespmem:s9+$0x57D0] =	vst v0  }
0x61: {  	[tilespmem:s9+$0x57E0] =	vst v0  }
0x62: {  	[tilespmem:$0x5700] =	vst v0  }
0x63: {  	[tilespmem:$0x5710] =	vst v0  }
0x64: {  	[tilespmem:$0x5720] =	vst v0  }
0x65: {  	[tilespmem:$0x5730] =	vst v0  }
0x66: {  	[tilespmem:$0x5740] =	vst v0  }
0x67: {  	[tilespmem:$0x5750] =	vst v0  }
0x68: {  	[tilespmem:$0x5760] =	vst v0  }
0x69: {  	s9 =	simm.s32 @!p0 $0x5780;
	s17 =	simm.s32 @!p0 $0x3;
	[tilespmem:$0x5770] =	vst v0  }
0x6a: {  	[spmem:s23] =	stream.linear.scatter @!p0 [tilespmem:s9], [sflag:$0x3], $0x2800, $0x38;
	[tilespmem:$0x1D300] =	vst v63  }
0x6b: {  	_ =	swait.ge @!p0 [sflag:s17], $0x2800  }
0x6c: {  	[sflag:s17] =	ssyncset.done @!p0 $0x0  }
0x6d: {  	s18 =	simm.s32 @!p0 $0x5700;
	s3 =	rddreg [dreg:$0x15];
	[sflag:s17] =	ssyncadd.s32 @!p0 $0xFFFFD800  }
0x6e: {  	[spmem:s3] =	stream.linear.scatter @!p0 [tilespmem:s18], [sflag:$0x3], $0x50, $0x38;
	[tilespmem:$0x1D300] =	vst v63  }
0x6f: {  	_ =	swait.ge @!p0 [sflag:s17], $0x50  }
0x70: {  	[sflag:s17] =	ssyncset.done @!p0 $0x0  }
0x71: {  	s3 =	rddreg [dreg:$0x16];
	[sflag:s17] =	ssyncadd.s32 @!p0 $0xFFFFFFB0  }
0x72: {  	[spmem:s3] =	stream.linear.scatter @!p0 [tilespmem:s9], [sflag:$0x3], $0x2800, $0x38;
	[tilespmem:$0x1D300] =	vst v63  }
0x73: {  	_ =	swait.ge @!p0 [sflag:s17], $0x2800  }
0x74: {  	[sflag:s17] =	ssyncset.done @!p0 $0x0  }
0x75: {  	s3 =	rddreg [dreg:$0x17];
	[sflag:s17] =	ssyncadd.s32 @!p0 $0xFFFFD800  }
0x76: {  	[spmem:s3] =	stream.linear.scatter @!p0 [tilespmem:s18], [sflag:$0x3], $0x50, $0x38;
	[tilespmem:$0x1D300] =	vst v63  }
0x77: {  	_ =	swait.ge @!p0 [sflag:s17], $0x50  }
0x78: {  	[sflag:s17] =	ssyncset.done @!p0 $0x0  }
0x79: {  	s3 =	rddreg [dreg:$0x18];
	[sflag:s17] =	ssyncadd.s32 @!p0 $0xFFFFFFB0  }
0x7a: {  	[spmem:s3] =	stream.linear.scatter @!p0 [tilespmem:s9], [sflag:$0x3], $0x2800, $0x38;
	[tilespmem:$0x1D300] =	vst v63  }
0x7b: {  	_ =	swait.ge @!p0 [sflag:s17], $0x2800  }
0x7c: {  	[sflag:s17] =	ssyncset.done @!p0 $0x0  }
0x7d: {  	s3 =	rddreg [dreg:$0x19];
	[sflag:s17] =	ssyncadd.s32 @!p0 $0xFFFFD800  }
0x7e: {  	[spmem:s3] =	stream.linear.scatter @!p0 [tilespmem:s18], [sflag:$0x3], $0x50, $0x38;
	[tilespmem:$0x1D300] =	vst v63  }
0x7f: {  	_ =	swait.ge @!p0 [sflag:s17], $0x50  }
0x80: {  	[sflag:s17] =	ssyncset.done @!p0 $0x0  }
0x81: {  	[sflag:s17] =	ssyncadd.s32 @!p0 $0xFFFFFFB0  }
0x82: {  	[spmem:s0] =	stream.linear.scatter [tilespmem:s12], [sflag:$0x3], $0x2800, $0x38;
	[tilespmem:$0x1D300] =	vst v63  }
0x83: {  	_ =	swait.ge [sflag:s10], $0x2800  }
0x84: {  	[sflag:s10] =	ssyncset.done $0x0  }
0x85: {  	s30 =	rddreg [dreg:$0x6];
	[sflag:s10] =	ssyncadd.s32 $0xFFFFD800  }
0x86: {  	[spmem:s30] =	stream.linear.scatter [tilespmem:s19], [sflag:$0x3], $0x50, $0x38;
	[tilespmem:$0x1D300] =	vst v63  }
0x87: {  	_ =	swait.ge [sflag:s10], $0x50  }
0x88: {  	[sflag:s10] =	ssyncset.done $0x0  }
0x89: {  	s31 =	rddreg [dreg:$0x7];
	[sflag:s10] =	ssyncadd.s32 $0xFFFFFFB0  }
0x8a: {  	[spmem:s31] =	stream.linear.scatter [tilespmem:s12], [sflag:$0x3], $0x2800, $0x38;
	[tilespmem:$0x1D300] =	vst v63  }
0x8b: {  	_ =	swait.ge [sflag:s10], $0x2800  }
0x8c: {  	[sflag:s10] =	ssyncset.done $0x0  }
0x8d: {  	s9 =	rddreg [dreg:$0x8];
	[sflag:s10] =	ssyncadd.s32 $0xFFFFD800  }
0x8e: {  	[spmem:s9] =	stream.linear.scatter [tilespmem:s19], [sflag:$0x3], $0x50, $0x38;
	[tilespmem:$0x1D300] =	vst v63  }
0x8f: {  	_ =	swait.ge [sflag:s10], $0x50  }
0x90: {  	[sflag:s10] =	ssyncset.done $0x0  }
0x91: {  	s17 =	rddreg [dreg:$0x9];
	[sflag:s10] =	ssyncadd.s32 $0xFFFFFFB0  }
0x92: {  	[spmem:s17] =	stream.linear.scatter [tilespmem:s12], [sflag:$0x3], $0x2800, $0x38;
	[tilespmem:$0x1D300] =	vst v63  }
0x93: {  	_ =	swait.ge [sflag:s10], $0x2800  }
0x94: {  	[sflag:s10] =	ssyncset.done $0x0  }
0x95: {  	s18 =	rddreg [dreg:$0xa];
	[sflag:s10] =	ssyncadd.s32 $0xFFFFD800  }
0x96: {  	[spmem:s18] =	stream.linear.scatter [tilespmem:s19], [sflag:$0x3], $0x50, $0x38;
	[tilespmem:$0x1D300] =	vst v63  }
0x97: {  	_ =	swait.ge [sflag:s10], $0x50  }
0x98: {  	[sflag:s10] =	ssyncset.done $0x0  }
0x99: {  	s26 =	rddreg [dreg:$0xb];
	[sflag:s10] =	ssyncadd.s32 $0xFFFFFFB0  }
0x9a: {  	[spmem:s26] =	stream.linear.scatter [tilespmem:s12], [sflag:$0x3], $0x2800, $0x38;
	[tilespmem:$0x1D300] =	vst v63  }
0x9b: {  	_ =	swait.ge [sflag:s10], $0x2800  }
0x9c: {  	[sflag:s10] =	ssyncset.done $0x0  }
0x9d: {  	s29 =	rddreg [dreg:$0xc];
	[sflag:s10] =	ssyncadd.s32 $0xFFFFD800  }
0x9e: {  	[spmem:s29] =	stream.linear.scatter [tilespmem:s19], [sflag:$0x3], $0x50, $0x38;
	[tilespmem:$0x1D300] =	vst v63  }
0x9f: {  	_ =	swait.ge [sflag:s10], $0x50  }
0xa0: {  	[sflag:s10] =	ssyncset.done $0x0  }
0xa1: {  	s30 =	rddreg [dreg:$0xd];
	[sflag:s10] =	ssyncadd.s32 $0xFFFFFFB0  }
0xa2: {  	[spmem:s30] =	stream.linear.scatter [tilespmem:s12], [sflag:$0x3], $0x2800, $0x38;
	[tilespmem:$0x1D300] =	vst v63  }
0xa3: {  	_ =	swait.ge [sflag:s10], $0x2800  }
0xa4: {  	[sflag:s10] =	ssyncset.done $0x0  }
0xa5: {  	s31 =	rddreg [dreg:$0xe];
	[sflag:s10] =	ssyncadd.s32 $0xFFFFD800  }
0xa6: {  	[spmem:s31] =	stream.linear.scatter [tilespmem:s19], [sflag:$0x3], $0x50, $0x38;
	[tilespmem:$0x1D300] =	vst v63  }
.Ltmp3:
0xa7: {  	_ =	swait.ge [sflag:s10], $0x50;
	(pc) =	sbr.rel .LBB2_4-.Ltmp3, $4  }
0xa8: {  	[sflag:s10] =	ssyncset.done $0x0  }
0xa9: {  	[sflag:s10] =	ssyncadd.s32 $0xFFFFFFB0  }
0xaa: {  	[bflag:$0x0] =	sbarrier.arrive $0xFFFF  }
0xab: {  	s28 =	simm.s32 $0x0;
	s26 =	simm.s32 $0x0  }
.LBB2_12:
0xac: {  	s28 =	sadd.s32 $0x1, s28  }
0xad: {  	p1 =	sne.s32 s28, $0xA  }
.Ltmp4:
0xae: {  	_ = 	snop;
	(pc) =	sbr.rel @!p1 .LBB2_13-.Ltmp4, $1  }
0xaf: {  	_ =	sdelay $0x3  }
.LBB2_4:
0xb0: {  	s9 =	sshll.u32 s28, $0x3  }
0xb1: {  	s29 =	sadd.s32 s9, s8  }
0xb2: {  	s9 =	sshll.u32 s29, $0x4  }
0xb3: {  	s17 =	sadd.s32 s6, s9  }
0xb4: {  	[tilespmem:s13], [sflag:$0x3] =	stream.linear.gather [hbm4b:s17+s26], $0x400, $0x38;
	[tilespmem:$0x1D300] =	vst v63  }
0xb5: {  	_ =	swait.ge [sflag:s10], $0x400  }
0xb6: {  	[sflag:s10] =	ssyncset.done $0x0  }
.Ltmp5:
0xb7: {  	s9 =	sadd.s32 s7, s9;
	[sflag:s10] =	ssyncadd.s32 $0xFFFFFC00;
	(pc) =	sbr.rel .LBB2_5-.Ltmp5, $4  }
0xb8: {  	[tilespmem:s20], [sflag:$0x3] =	stream.linear.gather [hbm4b:s9+s26], $0x400, $0x38;
	[tilespmem:$0x1D300] =	vst v63  }
0xb9: {  	_ =	swait.ge [sflag:s10], $0x400  }
0xba: {  	[sflag:s10] =	ssyncset.done $0x0  }
0xbb: {  	s30 =	simm.s32 $0x0;
	[sflag:s10] =	ssyncadd.s32 $0xFFFFFC00  }
.LBB2_10:
0xbc: {  	[tilespmem:s17+$0x0] =	vst v9  }
0xbd: {  	[tilespmem:s17+$0xFFFFFF90] =	vst v7  }
0xbe: {  	v3 =	vmul.f32 v3, v1;
	[tilespmem:s17+$0xFFFFFFE0] =	vst v8  }
0xbf: {  	v5 =	vmul.f32 v5, v1;
	[tilespmem:s17+$0xFFFFFFB0] =	vst v6  }
0xc0: {  	v2 =	vmul.f32 v2, v1;
	[tilespmem:s17+$0xFFFFFFC0] =	vst v3  }
0xc1: {  	v1 =	vmul.f32 v4, v1;
	[tilespmem:s17+$0xFFFFFFD0] =	vst v5  }
0xc2: {  	[tilespmem:s17+$0xFFFFFFF0] =	vst v2  }
0xc3: {  	[tilespmem:s17+$0xFFFFFFA0] =	vst v1  }
0xc4: {  	[spmem:s2] =	stream.indirect.scatter.add.f32 [tilespmem:s12], [sflag:$0x3], $0x80, s31, s15, $0xb8;
	[tilespmem:$0x1D300] =	vst v63  }
0xc5: {  	_ =	swait.ge [sflag:s10], $0x4000  }
0xc6: {  	[sflag:s10] =	ssyncset.done $0x0  }
0xc7: {  	[sflag:s10] =	ssyncadd.s32 $0xFFFFC000  }
.LBB2_11:
0xc8: {  	s30 =	sadd.s32 $0x1, s30  }
0xc9: {  	p1 =	sne.s32 s30, $0x8  }
.Ltmp6:
0xca: {  	_ = 	snop;
	(pc) =	sbr.rel @!p1 .LBB2_12-.Ltmp6, $1  }
0xcb: {  	_ =	sdelay $0x3  }
.LBB2_5:
0xcc: {  	s9 =	sor.u32 s29, s30  }
0xcd: {  	p1 =	sgt.u32 s9, $0x9C3  }
.Ltmp7:
0xce: {  	_ = 	snop;
	(pc) =	sbr.rel @p1 .LBB2_11-.Ltmp7, $1  }
0xcf: {  	_ =	sdelay $0x3  }
0xd0: {  	s31 =	sshll.u32 s30, $0x7  }
0xd1: {  	s9 =	sadd.s32 $0x4F00, s31  }
0xd2: {  	[tilespmem:s12], [sflag:$0x1] =	stream.indirect.gather [hbm4b:s1+s14], $0x80, s9, s14, $0xb8;
	[tilespmem:$0x1D300] =	vst v63  }
0xd3: {  	s18 =	sadd.s32 $0x4F40, s31  }
0xd4: {  	[tilespmem:s21], [sflag:$0x2] =	stream.indirect.gather [hbm4b:s1+s14], $0x80, s18, s14, $0xb8;
	[tilespmem:$0x1D300] =	vst v63  }
0xd5: {  	v1 =	vld [tilespmem:s31+$0x4F00]  }
0xd6: {  	v2 =	vld [tilespmem:s31+$0x5300];
	_ =	sdelay $0x5  }
0xd7: {  	s17 =	simm.s32 $0x0  }
0xd8: {  	v1 =	vld.idx.msk [tilespmem:v1+s17+$0x0], $0xffff  }
0xd9: {  	v2 =	vld.idx.msk [tilespmem:v2+s11+$0x0], $0xffff;
	_ =	sdelay $0x4  }
0xda: {  	v1 =	vadd.f32 v2, v1;
	v2 =	vld [tilespmem:$0x9780];
	_ =	sdelay $0x1  }
0xdb: {  	v3 =	vmul.f32 $2.000000030e-01, v1  }
0xdc: {  	vm0 =	vge.f32 v1, $0.0e+00  }
0xdd: {  	v1 =	vsel vm0, v1, v3  }
0xde: {  	v1 =	vsub.f32 v1, v2;
	_ =	sdelay $0x1  }
0xdf: {  	v1 =	vmul.f32 $1.442695020e+00, v1;
	_ =	sdelay $0x1  }
0xe0: {  	(erf) = vpow2.f32 v1;
	_ =	sdelay $0x8  }
0xe1: {  	v1 =	vpop (erf)  }
0xe2: {  	[tilespmem:$0x5700] =	vst v1  }
0xe3: {  	v1 =	vld [tilespmem:s31+$0x4F10]  }
0xe4: {  	v2 =	vld [tilespmem:s31+$0x5310];
	_ =	sdelay $0x6  }
0xe5: {  	v1 =	vld.idx.msk [tilespmem:v1+s17+$0x0], $0xffff  }
0xe6: {  	v2 =	vld.idx.msk [tilespmem:v2+s11+$0x0], $0xffff;
	_ =	sdelay $0x4  }
0xe7: {  	v1 =	vadd.f32 v2, v1;
	v2 =	vld [tilespmem:$0x9780];
	_ =	sdelay $0x1  }
0xe8: {  	v3 =	vmul.f32 $2.000000030e-01, v1  }
0xe9: {  	vm9 =	vge.f32 v1, $0.0e+00  }
0xea: {  	v1 =	vsel vm9, v1, v3  }
0xeb: {  	v1 =	vsub.f32 v1, v2;
	_ =	sdelay $0x1  }
0xec: {  	v1 =	vmul.f32 $1.442695020e+00, v1;
	_ =	sdelay $0x1  }
0xed: {  	(erf) = vpow2.f32 v1;
	_ =	sdelay $0x8  }
0xee: {  	v1 =	vpop (erf)  }
0xef: {  	[tilespmem:$0x5710] =	vst v1  }
0xf0: {  	v1 =	vld [tilespmem:s31+$0x4F20]  }
0xf1: {  	v2 =	vld [tilespmem:s31+$0x5320];
	_ =	sdelay $0x6  }
0xf2: {  	v1 =	vld.idx.msk [tilespmem:v1+s17+$0x0], $0xffff  }
0xf3: {  	v2 =	vld.idx.msk [tilespmem:v2+s11+$0x0], $0xffff;
	_ =	sdelay $0x4  }
0xf4: {  	v1 =	vadd.f32 v2, v1;
	v2 =	vld [tilespmem:$0x9780];
	_ =	sdelay $0x1  }
0xf5: {  	v3 =	vmul.f32 $2.000000030e-01, v1  }
0xf6: {  	vm10 =	vge.f32 v1, $0.0e+00  }
0xf7: {  	v1 =	vsel vm10, v1, v3  }
0xf8: {  	v1 =	vsub.f32 v1, v2;
	_ =	sdelay $0x1  }
0xf9: {  	v1 =	vmul.f32 $1.442695020e+00, v1;
	_ =	sdelay $0x1  }
0xfa: {  	(erf) = vpow2.f32 v1;
	_ =	sdelay $0x8  }
0xfb: {  	v1 =	vpop (erf)  }
0xfc: {  	[tilespmem:$0x5720] =	vst v1  }
0xfd: {  	v1 =	vld [tilespmem:s31+$0x4F30]  }
0xfe: {  	v2 =	vld [tilespmem:s31+$0x5330];
	_ =	sdelay $0x6  }
0xff: {  	v1 =	vld.idx.msk [tilespmem:v1+s17+$0x0], $0xffff  }
0x100: {  	v2 =	vld.idx.msk [tilespmem:v2+s11+$0x0], $0xffff;
	_ =	sdelay $0x4  }
0x101: {  	v1 =	vadd.f32 v2, v1;
	v2 =	vld [tilespmem:$0x9780];
	_ =	sdelay $0x1  }
0x102: {  	v3 =	vmul.f32 $2.000000030e-01, v1  }
0x103: {  	vm11 =	vge.f32 v1, $0.0e+00  }
0x104: {  	v1 =	vsel vm11, v1, v3  }
0x105: {  	v1 =	vsub.f32 v1, v2;
	_ =	sdelay $0x1  }
0x106: {  	v1 =	vmul.f32 $1.442695020e+00, v1;
	_ =	sdelay $0x1  }
0x107: {  	(erf) = vpow2.f32 v1;
	_ =	sdelay $0x8  }
0x108: {  	v1 =	vpop (erf)  }
0x109: {  	[tilespmem:$0x5730] =	vst v1  }
0x10a: {  	v1 =	vld [tilespmem:s31+$0x4F40]  }
0x10b: {  	v2 =	vld [tilespmem:s31+$0x5340];
	_ =	sdelay $0x6  }
0x10c: {  	v1 =	vld.idx.msk [tilespmem:v1+s17+$0x0], $0xffff  }
0x10d: {  	v2 =	vld.idx.msk [tilespmem:v2+s11+$0x0], $0xffff;
	_ =	sdelay $0x4  }
0x10e: {  	v1 =	vadd.f32 v2, v1;
	v2 =	vld [tilespmem:$0x9780];
	_ =	sdelay $0x1  }
0x10f: {  	v3 =	vmul.f32 $2.000000030e-01, v1  }
0x110: {  	vm12 =	vge.f32 v1, $0.0e+00  }
0x111: {  	v1 =	vsel vm12, v1, v3  }
0x112: {  	v1 =	vsub.f32 v1, v2;
	_ =	sdelay $0x1  }
0x113: {  	v1 =	vmul.f32 $1.442695020e+00, v1;
	_ =	sdelay $0x1  }
0x114: {  	(erf) = vpow2.f32 v1;
	_ =	sdelay $0x8  }
0x115: {  	v1 =	vpop (erf)  }
0x116: {  	[tilespmem:$0x5740] =	vst v1  }
0x117: {  	v1 =	vld [tilespmem:s31+$0x4F50]  }
0x118: {  	v2 =	vld [tilespmem:s31+$0x5350];
	_ =	sdelay $0x6  }
0x119: {  	v1 =	vld.idx.msk [tilespmem:v1+s17+$0x0], $0xffff  }
0x11a: {  	v2 =	vld.idx.msk [tilespmem:v2+s11+$0x0], $0xffff;
	_ =	sdelay $0x4  }
0x11b: {  	v1 =	vadd.f32 v2, v1;
	v2 =	vld [tilespmem:$0x9780];
	_ =	sdelay $0x1  }
0x11c: {  	v3 =	vmul.f32 $2.000000030e-01, v1  }
0x11d: {  	vm13 =	vge.f32 v1, $0.0e+00  }
0x11e: {  	v1 =	vsel vm13, v1, v3  }
0x11f: {  	v1 =	vsub.f32 v1, v2;
	_ =	sdelay $0x1  }
0x120: {  	v1 =	vmul.f32 $1.442695020e+00, v1;
	_ =	sdelay $0x1  }
0x121: {  	(erf) = vpow2.f32 v1;
	_ =	sdelay $0x8  }
0x122: {  	v1 =	vpop (erf)  }
0x123: {  	[tilespmem:$0x5750] =	vst v1  }
0x124: {  	v1 =	vld [tilespmem:s31+$0x4F60]  }
0x125: {  	v2 =	vld [tilespmem:s31+$0x5360];
	_ =	sdelay $0x6  }
0x126: {  	v1 =	vld.idx.msk [tilespmem:v1+s17+$0x0], $0xffff  }
0x127: {  	v2 =	vld.idx.msk [tilespmem:v2+s11+$0x0], $0xffff;
	_ =	sdelay $0x4  }
0x128: {  	v1 =	vadd.f32 v2, v1;
	v2 =	vld [tilespmem:$0x9780];
	_ =	sdelay $0x1  }
0x129: {  	v3 =	vmul.f32 $2.000000030e-01, v1  }
0x12a: {  	vm14 =	vge.f32 v1, $0.0e+00  }
0x12b: {  	v1 =	vsel vm14, v1, v3  }
0x12c: {  	v1 =	vsub.f32 v1, v2;
	_ =	sdelay $0x1  }
0x12d: {  	v1 =	vmul.f32 $1.442695020e+00, v1;
	_ =	sdelay $0x1  }
0x12e: {  	(erf) = vpow2.f32 v1;
	_ =	sdelay $0x8  }
0x12f: {  	v1 =	vpop (erf)  }
0x130: {  	[tilespmem:$0x5760] =	vst v1  }
0x131: {  	v1 =	vld [tilespmem:s31+$0x4F70]  }
0x132: {  	v2 =	vld [tilespmem:s31+$0x5370];
	_ =	sdelay $0x6  }
0x133: {  	v1 =	vld.idx.msk [tilespmem:v1+s17+$0x0], $0xffff  }
0x134: {  	v2 =	vld.idx.msk [tilespmem:v2+s11+$0x0], $0xffff;
	_ =	sdelay $0x4  }
0x135: {  	v1 =	vadd.f32 v2, v1;
	v2 =	vld [tilespmem:$0x9780];
	_ =	sdelay $0x1  }
0x136: {  	v3 =	vmul.f32 $2.000000030e-01, v1  }
0x137: {  	vm15 =	vge.f32 v1, $0.0e+00  }
0x138: {  	v1 =	vsel vm15, v1, v3  }
0x139: {  	v1 =	vsub.f32 v1, v2;
	_ =	sdelay $0x1  }
0x13a: {  	v1 =	vmul.f32 $1.442695020e+00, v1;
	_ =	sdelay $0x1  }
0x13b: {  	(erf) = vpow2.f32 v1;
	_ =	sdelay $0x8  }
0x13c: {  	v1 =	vpop (erf)  }
0x13d: {  	s31 =	sadd.s32 $0x5300, s31;
	[tilespmem:$0x5770] =	vst v1  }
0x13e: {  	[spmem:s4] =	stream.indirect.scatter.add.f32 [tilespmem:s19], [sflag:$0x4], $0x1, s31, s15, $0xb8;
	[tilespmem:$0x1D300] =	vst v63  }
0x13f: {  	_ =	swait.ge [sflag:s22], $0x80  }
0x140: {  	[sflag:s22] =	ssyncset.done $0x0  }
0x141: {  	[sflag:s22] =	ssyncadd.s32 $0xFFFFFF80  }
0x142: {  	_ =	swait.ge [sflag:s16], $0x2000  }
0x143: {  	v1 =	vmov s17;
	[sflag:s16] =	ssyncset.done $0x0  }
0x144: {  	s17 =	simm.s32 $0x57C0;
	[sflag:s16] =	ssyncadd.s32 $0xFFFFE000  }
0x145: {  	v5 =	vld [tilespmem:s17+$0x30]  }
0x146: {  	v8 =	vld [tilespmem:s17+$0x10]  }
0x147: {  	v6 =	vld [tilespmem:s17+$0xFFFFFFC0]  }
0x148: {  	v2 =	vld.idx.msk [tilespmem:v1+s19+$0x0], $0xffff  }
0x149: {  	v10 =	vld [tilespmem:s17+$0xFFFFFFE0]  }
0x14a: {  	v1 =	vld [tilespmem:s17+$0xFFFFFFF0]  }
0x14b: {  	v3 =	vld [tilespmem:s17+$0x20]  }
0x14c: {  	v4 =	vld [tilespmem:s17+$0xFFFFFFD0]  }
0x14d: {  	v9 =	vmul.f32 v5, v2;
	v5 =	vld [tilespmem:s17+$0x0]  }
0x14e: {  	v7 =	vmul.f32 v6, v2  }
0x14f: {  	s9 =	simm.s32 $0x1;
	s18 =	simm.s32 $0x57C0;
	v6 =	vmul.f32 v10, v2;
	v8 =	vmul.f32 v8, v2  }
.LBB2_7:
0x150: {  	p1 =	sne.s32 s9, $0x3F  }
0x151: {  	v4 =	vmul.f32 v4, v2;
	v3 =	vmul.f32 v3, v2;
	[tilespmem:s17+$0x30] =	vst v9;
	s18 =	sadd.s32 $0x80, s18;
	s3 =	smov.u32 s9;
	s9 =	sadd.s32 $0x1, s9  }
0x152: {  	[tilespmem:s17+$0xFFFFFFC0] =	vst v7;
	v7 =	vmul.f32 v1, v2;
	v2 =	vmul.f32 v5, v2  }
0x153: {  	[tilespmem:s17+$0x10] =	vst v8  }
0x154: {  	v5 =	vmov s3;
	[tilespmem:s17+$0xFFFFFFE0] =	vst v6  }
0x155: {  	v1 =	vld [tilespmem:s18+$0xFFFFFFF0];
	[tilespmem:s17+$0xFFFFFFF0] =	vst v7  }
0x156: {  	v6 =	vld [tilespmem:s18+$0x30];
	[tilespmem:s17+$0x0] =	vst v2  }
0x157: {  	v8 =	vld [tilespmem:s18+$0x10];
	[tilespmem:s17+$0x20] =	vst v3  }
0x158: {  	v7 =	vld [tilespmem:s18+$0xFFFFFFC0];
	[tilespmem:s17+$0xFFFFFFD0] =	vst v4;
	s17 =	smov.u32 s18  }
0x159: {  	v2 =	vld.idx.msk [tilespmem:v5+s19+$0x0], $0xffff  }
0x15a: {  	v10 =	vld [tilespmem:s18+$0xFFFFFFE0]  }
0x15b: {  	v3 =	vld [tilespmem:s18+$0x20]  }
.Ltmp8:
0x15c: {  	v4 =	vld [tilespmem:s18+$0xFFFFFFD0];
	(pc) =	sbr.rel @p1 .LBB2_7-.Ltmp8, $3  }
0x15d: {  	v5 =	vld [tilespmem:s18+$0x0];
	_ =	sdelay $0x1  }
0x15e: {  	v7 =	vmul.f32 v7, v2;
	v9 =	vmul.f32 v6, v2  }
0x15f: {  	v8 =	vmul.f32 v8, v2;
	v6 =	vmul.f32 v10, v2  }
0x160: {  	[tilespmem:s17+$0x30] =	vst v9  }
0x161: {  	[tilespmem:s17+$0xFFFFFFC0] =	vst v7  }
0x162: {  	v1 =	vmul.f32 v1, v2;
	[tilespmem:s17+$0x10] =	vst v8  }
0x163: {  	v3 =	vmul.f32 v3, v2;
	[tilespmem:s17+$0xFFFFFFE0] =	vst v6  }
0x164: {  	v5 =	vmul.f32 v5, v2;
	[tilespmem:s17+$0xFFFFFFF0] =	vst v1  }
0x165: {  	v1 =	vmul.f32 v4, v2;
	[tilespmem:s17+$0x20] =	vst v3  }
0x166: {  	[tilespmem:s17+$0x0] =	vst v5  }
0x167: {  	[tilespmem:s17+$0xFFFFFFD0] =	vst v1  }
0x168: {  	s3 =	simm.s32 $0x40;
	_ =	swait.ge [sflag:s24], $0x2000  }
0x169: {  	v1 =	vmov s3;
	[sflag:s24] =	ssyncset.done $0x0  }
0x16a: {  	s17 =	simm.s32 $0x77F0;
	[sflag:s24] =	ssyncadd.s32 $0xFFFFE000  }
0x16b: {  	v5 =	vld [tilespmem:s17+$0x0]  }
0x16c: {  	v8 =	vld [tilespmem:s17+$0xFFFFFFE0]  }
0x16d: {  	v6 =	vld [tilespmem:s17+$0xFFFFFF90]  }
0x16e: {  	v1 =	vld.idx.msk [tilespmem:v1+s19+$0x0], $0xffff  }
0x16f: {  	v10 =	vld [tilespmem:s17+$0xFFFFFFB0]  }
0x170: {  	v2 =	vld [tilespmem:s17+$0xFFFFFFF0]  }
0x171: {  	v3 =	vld [tilespmem:s17+$0xFFFFFFC0]  }
0x172: {  	v4 =	vld [tilespmem:s17+$0xFFFFFFA0]  }
0x173: {  	v9 =	vmul.f32 v5, v1;
	v5 =	vld [tilespmem:s17+$0xFFFFFFD0]  }
0x174: {  	v7 =	vmul.f32 v6, v1  }
0x175: {  	s9 =	simm.s32 $0x41;
	s18 =	simm.s32 $0x77F0;
	v6 =	vmul.f32 v10, v1;
	v8 =	vmul.f32 v8, v1  }
.LBB2_9:
0x176: {  	p1 =	sne.s32 s9, $0x7F  }
0x177: {  	v4 =	vmul.f32 v4, v1;
	v10 =	vmul.f32 v2, v1;
	[tilespmem:s17+$0x0] =	vst v9;
	s18 =	sadd.s32 $0x80, s18;
	s3 =	smov.u32 s9;
	s9 =	sadd.s32 $0x1, s9  }
0x178: {  	v3 =	vmul.f32 v3, v1;
	v1 =	vmul.f32 v5, v1;
	[tilespmem:s17+$0xFFFFFF90] =	vst v7  }
0x179: {  	[tilespmem:s17+$0xFFFFFFE0] =	vst v8  }
0x17a: {  	v5 =	vmov s3;
	[tilespmem:s17+$0xFFFFFFB0] =	vst v6  }
0x17b: {  	v2 =	vld [tilespmem:s18+$0xFFFFFFF0];
	[tilespmem:s17+$0xFFFFFFC0] =	vst v3  }
0x17c: {  	v6 =	vld [tilespmem:s18+$0x0];
	[tilespmem:s17+$0xFFFFFFD0] =	vst v1  }
0x17d: {  	v3 =	vld [tilespmem:s18+$0xFFFFFFC0];
	[tilespmem:s17+$0xFFFFFFF0] =	vst v10  }
0x17e: {  	v8 =	vld [tilespmem:s18+$0xFFFFFFE0];
	[tilespmem:s17+$0xFFFFFFA0] =	vst v4;
	s17 =	smov.u32 s18  }
0x17f: {  	v1 =	vld.idx.msk [tilespmem:v5+s19+$0x0], $0xffff  }
0x180: {  	v7 =	vld [tilespmem:s18+$0xFFFFFF90]  }
0x181: {  	v10 =	vld [tilespmem:s18+$0xFFFFFFB0]  }
.Ltmp9:
0x182: {  	v4 =	vld [tilespmem:s18+$0xFFFFFFA0];
	(pc) =	sbr.rel @p1 .LBB2_9-.Ltmp9, $3  }
0x183: {  	v5 =	vld [tilespmem:s18+$0xFFFFFFD0];
	_ =	sdelay $0x1  }
0x184: {  	v9 =	vmul.f32 v6, v1;
	v7 =	vmul.f32 v7, v1  }
0x185: {  	v8 =	vmul.f32 v8, v1;
	v6 =	vmul.f32 v10, v1  }
.Ltmp10:
0x186: {  	_ = 	snop;
	(pc) =	sbr.rel .LBB2_10-.Ltmp10, $1  }
0x187: {  	_ =	sdelay $0x3  }
.LBB2_14:
0x188: {  	_ =	sfence.sel $0x180000  }
0x189: {  	[bflag:$0x0] =	sbarrier.arrive $0xFFFF  }
0x18a: {  	_ =	strace $0x90000047  }
0x18b: {  	s0 =	stileid.u32;
	[bflag:$0x2] =	sbarrier.arrive $0xFFFF  }
0x18c: {  	p0 =	sne.s32 s0, $0x0;
	s0 =	rddreg [dreg:$0x4]  }
0x18d: {  	s0 =	sadd.s32 @!p0 $0x100000, s0  }
0x18e: {  	[sflag:s0] =	ssyncadd.tile.s32 @!p0 $0x1;
	_ =	shalt  }
.Lfunc_end2:
_tile_overlayer_lowered:
.L_overlay_start_2:
0x18f: {  	(tag) =	ssettag $0x2  }
0x190: {  	s0 =	rddreg [dreg:$0x0];
	s2 =	stileid.u32  }
0x191: {  	s1 =	rddreg [dreg:$0x1];
	p0 =	sne.s32 s2, $0x0  }
0x192: {  	s3 =	rddreg [dreg:$0x2];
	[bflag:$0x3] =	sbarrier.arrive $0xFFFF;
	s2 =	simm.s32 @!p0 $0x1C03  }
0x193: {  	[timem:s3], [sflag:s2] =	dma.local @!p0 [hbm:s0], s1  }
0x194: {  	s0 =	simm.s32 @!p0 $0x3  }
0x195: {  	_ =	swait.ge @!p0 [sflag:s0], s1  }
0x196: {  	s1 =	ssub.s32 @!p0 $0x0, s1;
	[sflag:s0] =	ssyncset.done @!p0 $0x0  }
0x197: {  	[sflag:s0] =	ssyncadd.s32 @!p0 s1  }
0x198: {  	[bflag:$0x3] =	sbarrier.arrive $0xFFFF  }
0x199: {  	_ =	shalt  }

</sc_bundles>
